<compile_context>
chip_gen: v7x
topology: tpu7x:2x2x1
jax: 0.10.2.dev20260603
libtpu: 0.0.44.dev20260713+nightly
codegen_flags: <defaults>
</compile_context>

<pallas_src>
import functools

import jax
import jax.numpy as jnp
from jax import lax
from jax.experimental import pallas as pl
from jax.experimental.pallas import tpu as pltpu
from jax.experimental.pallas import tpu_sc as plsc

N_NODES = 10000
D = 128
E_EDGES = 320000
L_LEAF = 5000

NC = 2
NS = 16
NW = NC * NS

NP = 10240
EP = 327680
EPT = EP // NW
NBLK = EPT // 128
EBLK = 128
EPS = EP
EPTS = EPS // NW
NBLK2 = EPTS // EBLK
LP = 8192
LPS = LP // NS
LPT = LP // NW
RPS = NP // NS

f32 = jnp.float32



@functools.lru_cache(maxsize=None)
def _sc_kernels():
    mesh = plsc.VectorSubcoreMesh(core_axis_name="c", subcore_axis_name="s",
                                  num_cores=NC, num_subcores=NS)

    @functools.partial(
        pl.kernel,
        out_type=jax.ShapeDtypeStruct((NC * NP, D), f32),
        mesh=mesh,
        scratch_types=[
            pltpu.VMEM((128, D), f32),
            pltpu.VMEM((NBLK, 128), jnp.int32),
            pltpu.VMEM_SHARED((NP, D), f32),
        ],
    )
    def _deg_kernel(dst2_hbm, zeros_hbm, ones_hbm, out_hbm,
                    ones_v, dst_v, acc_sh):
        cid = lax.axis_index("c")
        sid = lax.axis_index("s")
        wid = sid * NC + cid
        pltpu.sync_copy(zeros_hbm.at[pl.ds(sid * RPS, RPS)],
                        acc_sh.at[pl.ds(sid * RPS, RPS)])
        pltpu.sync_copy(ones_hbm, ones_v)
        pltpu.sync_copy(dst2_hbm.at[pl.ds(wid * NBLK, NBLK)], dst_v)
        plsc.subcore_barrier()

        @pl.loop(0, NBLK)
        def _(b):
            pltpu.sync_copy(ones_v, acc_sh.at[dst_v.at[b]], add=True)

        plsc.subcore_barrier()
        pltpu.sync_copy(acc_sh.at[pl.ds(sid * RPS, RPS)],
                        out_hbm.at[pl.ds(cid * NP + sid * RPS, RPS)])

    def _segsum_body(h_hbm, src_hbm, dst64_hbm, zeros_hbm, out_hbm,
                     sidxs, dst_v, bufs, sems):
        cid = lax.axis_index("c")
        sid = lax.axis_index("s")
        wid = sid * NC + cid

        def _start(b, j):
            pltpu.sync_copy(src_hbm.at[pl.ds(wid * EPTS + b * EBLK, EBLK)],
                            sidxs[j])
            pltpu.make_async_copy(h_hbm.at[sidxs[j]], bufs[j], sems[j]).start()

        def _drain(b, j):
            pltpu.make_async_copy(h_hbm.at[sidxs[j]], bufs[j], sems[j]).wait()

        pltpu.sync_copy(dst64_hbm.at[pl.ds(wid * NBLK2, NBLK2)], dst_v)
        return cid, sid, wid, _start, _drain

    def _segsum_stream(_start, _drain, dst_v, acc_sh, bufs, sems):
        _start(0, 0)
        _start(1, 1)

        @pl.loop(0, NBLK2 - 2, step=2)
        def _(b):
            _drain(b, 0)
            pltpu.sync_copy(bufs[0], acc_sh.at[dst_v.at[b]], add=True)
            _start(b + 2, 0)
            _drain(b + 1, 1)
            pltpu.sync_copy(bufs[1], acc_sh.at[dst_v.at[b + 1]], add=True)
            _start(b + 3, 1)

        _drain(NBLK2 - 2, 0)
        pltpu.sync_copy(bufs[0], acc_sh.at[dst_v.at[NBLK2 - 2]], add=True)
        _drain(NBLK2 - 1, 1)
        pltpu.sync_copy(bufs[1], acc_sh.at[dst_v.at[NBLK2 - 1]], add=True)

    @functools.partial(
        pl.kernel,
        out_type=jax.ShapeDtypeStruct((NC * NP, D), f32),
        mesh=mesh,
        scratch_types=[
            pltpu.VMEM((EBLK,), jnp.int32),
            pltpu.VMEM((EBLK,), jnp.int32),
            pltpu.VMEM((NBLK2, EBLK), jnp.int32),
            pltpu.VMEM((EBLK, D), f32),
            pltpu.VMEM((EBLK, D), f32),
            pltpu.VMEM_SHARED((NP, D), f32),
            pltpu.SemaphoreType.DMA,
            pltpu.SemaphoreType.DMA,
        ],
    )
    def _segsum_kernel(h_hbm, src_hbm, dst64_hbm, zeros_hbm, out_hbm,
                       sidx0, sidx1, dst_v, rows0, rows1,
                       acc_sh, sem0, sem1):
        bufs = (rows0, rows1)
        sems = (sem0, sem1)
        cid, sid, wid, _start, _drain = _segsum_body(
            h_hbm, src_hbm, dst64_hbm, zeros_hbm, out_hbm,
            (sidx0, sidx1), dst_v, bufs, sems)
        pltpu.sync_copy(zeros_hbm.at[pl.ds(sid * RPS, RPS)],
                        acc_sh.at[pl.ds(sid * RPS, RPS)])
        plsc.subcore_barrier()

        _segsum_stream(_start, _drain, dst_v, acc_sh, bufs, sems)

        plsc.subcore_barrier()
        pltpu.sync_copy(acc_sh.at[pl.ds(sid * RPS, RPS)],
                        out_hbm.at[pl.ds(cid * NP + sid * RPS, RPS)])

    @functools.partial(
        pl.kernel,
        out_type=[jax.ShapeDtypeStruct((NC * NP, D), f32),
                  jax.ShapeDtypeStruct((NC * LP, D), f32),
                  jax.ShapeDtypeStruct((LP, D), f32)],
        mesh=mesh,
        scratch_types=[
            pltpu.VMEM((EBLK,), jnp.int32),
            pltpu.VMEM((EBLK,), jnp.int32),
            pltpu.VMEM((NBLK2, EBLK), jnp.int32),
            pltpu.VMEM((EBLK, D), f32),
            pltpu.VMEM((EBLK, D), f32),
            pltpu.VMEM((EBLK,), jnp.int32),
            pltpu.VMEM_SHARED((NP, D), f32),
            pltpu.SemaphoreType.DMA,
            pltpu.SemaphoreType.DMA,
        ],
    )
    def _segsum_leaf_kernel(h_hbm, src_hbm, dst64_hbm, zeros_hbm, leaf2_hbm,
                            leaf_hbm, r_hbm, out_hbm, hl_hbm, rl_hbm,
                            sidx0, sidx1, dst_v, rows0, rows1,
                            lidx_v, acc_sh, sem0, sem1):
        bufs = (rows0, rows1)
        sems = (sem0, sem1)
        cid, sid, wid, _start, _drain = _segsum_body(
            h_hbm, src_hbm, dst64_hbm, zeros_hbm, out_hbm,
            (sidx0, sidx1), dst_v, bufs, sems)
        pltpu.sync_copy(zeros_hbm.at[pl.ds(sid * RPS, RPS)],
                        acc_sh.at[pl.ds(sid * RPS, RPS)])
        plsc.subcore_barrier()

        _segsum_stream(_start, _drain, dst_v, acc_sh, bufs, sems)

        plsc.subcore_barrier()
        pltpu.sync_copy(acc_sh.at[pl.ds(sid * RPS, RPS)],
                        out_hbm.at[pl.ds(cid * NP + sid * RPS, RPS)])
        plsc.subcore_barrier()

        @pl.loop(0, LPS // EBLK)
        def _(k):
            base = sid * LPS + k * EBLK
            pltpu.sync_copy(leaf2_hbm.at[pl.ds(base, EBLK)], lidx_v)
            pltpu.async_copy(acc_sh.at[lidx_v], rows0, sem0).wait()
            pltpu.sync_copy(rows0, hl_hbm.at[pl.ds(cid * LP + base, EBLK)])

        @pl.loop(0, LPT // EBLK)
        def _(k):
            base = wid * LPT + k * EBLK
            pltpu.sync_copy(leaf_hbm.at[pl.ds(base, EBLK)], lidx_v)
            pltpu.async_copy(r_hbm.at[lidx_v], rows0, sem0).wait()
            pltpu.sync_copy(rows0, rl_hbm.at[pl.ds(base, EBLK)])

    return _deg_kernel, _segsum_kernel, _segsum_leaf_kernel



BLK = 1024
GRID = NP // BLK


def _t1_body(degA_ref, degB_ref, x_ref, r_ref, xt_ref):
    deg = jnp.max(degA_ref[...] + degB_ref[...], axis=1, keepdims=True)
    r = lax.rsqrt(jnp.maximum(deg, 1.0))
    rb = jnp.broadcast_to(r, (BLK, D))
    r_ref[...] = rb
    xt_ref[...] = x_ref[...] * rb


def _t1(degA, degB, x_p):
    return pl.pallas_call(
        _t1_body,
        grid=(GRID,),
        in_specs=[pl.BlockSpec((BLK, D), lambda i: (i, 0)),
                  pl.BlockSpec((BLK, D), lambda i: (i, 0)),
                  pl.BlockSpec((BLK, D), lambda i: (i, 0))],
        out_specs=[pl.BlockSpec((BLK, D), lambda i: (i, 0)),
                   pl.BlockSpec((BLK, D), lambda i: (i, 0))],
        out_shape=[jax.ShapeDtypeStruct((NP, D), f32),
                   jax.ShapeDtypeStruct((NP, D), f32)],
    )(degA, degB, x_p)


def _t2_body(aggA_ref, aggB_ref, r_ref, W_ref, b_ref, out_ref):
    r = r_ref[...]
    a = (aggA_ref[...] + aggB_ref[...]) * r
    o = jnp.dot(a, W_ref[...], preferred_element_type=f32) + b_ref[...]
    out_ref[...] = jnp.maximum(o, 0.0) * r


def _t2(aggA, aggB, r, W, b):
    return pl.pallas_call(
        _t2_body,
        grid=(GRID,),
        in_specs=[pl.BlockSpec((BLK, D), lambda i: (i, 0)),
                  pl.BlockSpec((BLK, D), lambda i: (i, 0)),
                  pl.BlockSpec((BLK, D), lambda i: (i, 0)),
                  pl.BlockSpec((D, D), lambda i: (0, 0)),
                  pl.BlockSpec((1, D), lambda i: (0, 0))],
        out_specs=pl.BlockSpec((BLK, D), lambda i: (i, 0)),
        out_shape=jax.ShapeDtypeStruct((NP, D), f32),
    )(aggA, aggB, r, W, b)


def _t3_body(aggA_ref, aggB_ref, r_ref, asum_ref):
    i = pl.program_id(0)
    a = (aggA_ref[...] + aggB_ref[...]) * r_ref[...]
    rows = i * BLK + lax.broadcasted_iota(jnp.int32, (BLK, D), 0)
    am = jnp.where(rows < N_NODES, a, 0.0)

    @pl.when(i == 0)
    def _():
        asum_ref[...] = jnp.zeros_like(asum_ref)

    asum_ref[...] += jnp.sum(am, axis=0, keepdims=True)


def _t3(aggA, aggB, r):
    return pl.pallas_call(
        _t3_body,
        grid=(GRID,),
        in_specs=[pl.BlockSpec((BLK, D), lambda i: (i, 0)),
                  pl.BlockSpec((BLK, D), lambda i: (i, 0)),
                  pl.BlockSpec((BLK, D), lambda i: (i, 0))],
        out_specs=pl.BlockSpec((1, D), lambda i: (0, 0)),
        out_shape=jax.ShapeDtypeStruct((1, D), f32),
    )(aggA, aggB, r)


def _t4_body(hlA_ref, hlB_ref, rl_ref, asum_ref, W2_ref, b2_ref, Wa_ref,
             Wb_ref, Wc_ref, we_ref, bs1_ref, Ws2_ref, bs2_ref, out_ref):
    graph = (jnp.dot(asum_ref[...], W2_ref[...], preferred_element_type=f32)
             * (1.0 / N_NODES) + b2_ref[...])
    const = (jnp.dot(we_ref[...], Wa_ref[...], preferred_element_type=f32)
             + jnp.dot(graph, Wc_ref[...], preferred_element_type=f32)
             + jnp.dot(b2_ref[...], Wb_ref[...], preferred_element_type=f32)
             + bs1_ref[...])
    W2b = jnp.dot(W2_ref[...], Wb_ref[...], preferred_element_type=f32)
    hpre = (hlA_ref[...] + hlB_ref[...]) * rl_ref[...]
    z = jnp.dot(hpre, W2b, preferred_element_type=f32)
    pre = jnp.maximum(z + const, 0.0)
    s = jnp.dot(pre, Ws2_ref[...], preferred_element_type=f32) + bs2_ref[...]
    rows = lax.broadcasted_iota(jnp.int32, (LP, 1), 0)
    mask = rows < L_LEAF
    logits = jnp.where(mask, s, jnp.full_like(s, -1e30))
    m = jnp.max(logits)
    p = jnp.where(mask, jnp.exp(logits - m), 0.0)
    out_ref[...] = p / jnp.sum(p)


def _t4(hlA, hlB, rl, asum, W2, b2, Wa, Wb, Wc, we, bs1, Ws2, bs2):
    full = lambda shp: pl.BlockSpec(shp, lambda i: (0, 0))
    return pl.pallas_call(
        _t4_body,
        grid=(1,),
        in_specs=[full((LP, D)), full((LP, D)), full((LP, D)), full((1, D)),
                  full((D, D)), full((1, D)), full((D, D)), full((D, D)),
                  full((D, D)), full((1, D)), full((1, D)), full((D, 1)),
                  full((1, 1))],
        out_specs=full((LP, 1)),
        out_shape=jax.ShapeDtypeStruct((LP, 1), f32),
    )(hlA, hlB, rl, asum, W2, b2, Wa, Wb, Wc, we, bs1, Ws2, bs2)



def kernel(x, edge_index, leaf_inds, word_emb, W1, b1, W2, b2, Ws1, bs1,
           Ws2, bs2):
    src = edge_index[0]
    dst = edge_index[1]
    pad_idx = jnp.full((EPS - E_EDGES,), N_NODES, jnp.int32)
    src_p = jnp.concatenate([src, pad_idx])
    dst_p = jnp.concatenate([dst, pad_idx])
    dst2 = dst_p[:EP].reshape(EP // 128, 128)
    dst64 = dst_p.reshape(EPS // EBLK, EBLK)
    leaf_p = jnp.concatenate(
        [leaf_inds, jnp.full((LP - L_LEAF,), N_NODES, jnp.int32)])
    x_p = jnp.concatenate([x, jnp.zeros((NP - N_NODES, D), f32)], axis=0)
    zerosND = jnp.zeros((NP, D), f32)
    onesND = jnp.ones((128, D), f32)

    deg_k, segsum_k, segsum_leaf_k = _sc_kernels()
    deg2 = deg_k(dst2, zerosND, onesND)
    r, xt = _t1(deg2[:NP], deg2[NP:], x_p)
    agg1 = segsum_k(xt, src_p, dst64, zerosND)
    h1t = _t2(agg1[:NP], agg1[NP:], r, W1, b1.reshape(1, D))
    agg2, hl, rl = segsum_leaf_k(h1t, src_p, dst64, zerosND, leaf_p, leaf_p, r)
    asum = _t3(agg2[:NP], agg2[NP:], r)
    out = _t4(hl[:LP], hl[LP:], rl, asum, W2, b2.reshape(1, D),
              Ws1[:D], Ws1[D:2 * D], Ws1[2 * D:], word_emb.reshape(1, D),
              bs1.reshape(1, D), Ws2, bs2.reshape(1, 1))
    return out[:L_LEAF]

# --- scband reference (transcript-rebuilt; emitter-appended) ---
"""Pipeline reference for scband-pos-choser-88433376625399 (READ-ONLY COPY).

The authoritative reference and input builder live on the scoring server;
editing this copy changes nothing except your own understanding.
"""

import jax, jax.numpy as jnp
import numpy as np

N = 10000
E = 320000
D = 128
EMB = 128
L = 5000
INP = D * 2 + EMB


def setup_inputs(seed: int = 0) -> dict:
    key = jax.random.key(seed)
    ks = jax.random.split(key, 12)
    x = jax.random.normal(ks[0], (N, D), dtype=jnp.float32)
    edge_index = jax.random.randint(ks[1], (2, E), 0, N, dtype=jnp.int32)
    leaf_inds = jax.random.randint(ks[2], (L,), 0, N, dtype=jnp.int32)
    word_emb = jax.random.normal(ks[3], (EMB,), dtype=jnp.float32)
    # GCN layer weights (2-layer Kipf GCN: node_dim -> node_dim -> node_dim)
    s1 = 1.0 / np.sqrt(D)
    W1 = jax.random.uniform(ks[4], (D, D), minval=-s1, maxval=s1, dtype=jnp.float32)
    b1 = jnp.zeros((D,), dtype=jnp.float32)
    W2 = jax.random.uniform(ks[5], (D, D), minval=-s1, maxval=s1, dtype=jnp.float32)
    b2 = jnp.zeros((D,), dtype=jnp.float32)
    # score_cal MLP: Linear(inp_dim, node_dim) -> ReLU -> Linear(node_dim, 1)
    s2 = 1.0 / np.sqrt(INP)
    Ws1 = jax.random.uniform(ks[6], (INP, D), minval=-s2, maxval=s2, dtype=jnp.float32)
    bs1 = jnp.zeros((D,), dtype=jnp.float32)
    s3 = 1.0 / np.sqrt(D)
    Ws2 = jax.random.uniform(ks[7], (D, 1), minval=-s3, maxval=s3, dtype=jnp.float32)
    bs2 = jnp.zeros((1,), dtype=jnp.float32)
    return {"x": x, "edge_index": edge_index, "leaf_inds": leaf_inds, "word_emb": word_emb,
            "W1": W1, "b1": b1, "W2": W2, "b2": b2,
            "Ws1": Ws1, "bs1": bs1, "Ws2": Ws2, "bs2": bs2}


def reference(x, edge_index, leaf_inds, word_emb, W1, b1, W2, b2, Ws1, bs1, Ws2, bs2):
    src = edge_index[0]
    dst = edge_index[1]
    # symmetric GCN normalization
    ones = jnp.ones((E,), dtype=jnp.float32)
    deg = jax.ops.segment_sum(ones, dst, num_segments=N)
    deg = jnp.clip(deg, 1.0, None)
    norm = jax.lax.rsqrt(deg[src] * deg[dst])

    def gcn_layer(h, W, b):
        msg = h[src] * norm[:, None]          # gather (memory-bound)
        agg = jax.ops.segment_sum(msg, dst, num_segments=N)  # scatter-add
        return agg @ W + b

    h = jax.nn.relu(gcn_layer(x, W1, b1))
    # dropout is identity in eval mode
    h = gcn_layer(h, W2, b2)

    # graph aggregation (mean over nodes), repeated per node
    graph = jnp.mean(h, axis=0)
    graph_rep = jnp.broadcast_to(graph[None, :], (N, D))
    word_rep = jnp.broadcast_to(word_emb[None, :], (N, EMB))
    node_hidden = jnp.concatenate([word_rep, h, graph_rep], axis=1)  # [N, emb+2*node_dim]

    # gather leaf positions
    leave_states = node_hidden[leaf_inds]  # [L, INP]

    # score_cal MLP
    s = jax.nn.relu(leave_states @ Ws1 + bs1) @ Ws2 + bs2  # [L, 1]
    scores = jax.nn.softmax(s, axis=0)  # softmax over candidate positions
    return scores

if __name__ == "__main__":
    import jax
    _d = setup_inputs()
    print(jax.jit(kernel)(*tuple(_d.values())))

</pallas_src>

<mosaic_0001>
#map = affine_map<(d0, d1) -> (0, 0)>
#map1 = affine_map<(d0, d1) -> (0)>
module attributes {stable_mosaic.version = 14 : i64} {
  func.func @_segsum_leaf_kernel(%arg0: i32, %arg1: i32, %arg2: memref<10240x128xf32, #tpu.memory_space<hbm>>, %arg3: memref<327680xi32, #tpu.memory_space<hbm>>, %arg4: memref<2560x128xi32, #tpu.memory_space<hbm>>, %arg5: memref<10240x128xf32, #tpu.memory_space<hbm>>, %arg6: memref<8192xi32, #tpu.memory_space<hbm>>, %arg7: memref<8192xi32, #tpu.memory_space<hbm>>, %arg8: memref<10240x128xf32, #tpu.memory_space<hbm>>, %arg9: memref<20480x128xf32, #tpu.memory_space<hbm>>, %arg10: memref<16384x128xf32, #tpu.memory_space<hbm>>, %arg11: memref<8192x128xf32, #tpu.memory_space<hbm>>, %arg12: memref<128xi32, #tpu.memory_space<vmem>>, %arg13: memref<128xi32, #tpu.memory_space<vmem>>, %arg14: memref<80x128xi32, #tpu.memory_space<vmem>>, %arg15: memref<128x128xf32, #tpu.memory_space<vmem>>, %arg16: memref<128x128xf32, #tpu.memory_space<vmem>>, %arg17: memref<128xi32, #tpu.memory_space<vmem>>, %arg18: memref<10240x128xf32, #tpu.memory_space<vmem_shared>>, %arg19: memref<!tpu.dma_semaphore, #tpu.memory_space<semaphore_mem>>, %arg20: memref<!tpu.dma_semaphore, #tpu.memory_space<semaphore_mem>>) attributes {dimension_semantics = [#tpu.dimension_semantics<core_parallel>, #tpu.dimension_semantics<subcore_parallel>], iteration_bounds = array<i64: 2, 16>, scalar_prefetch = 0 : i64, scratch_operands = 9 : i64, tpu.core_type = #tpu.core_type<sc_vector_subcore>, window_params = [{transform_indices = #map}, {transform_indices = #map1}, {transform_indices = #map}, {transform_indices = #map}, {transform_indices = #map1}, {transform_indices = #map1}, {transform_indices = #map}, {transform_indices = #map}, {transform_indices = #map}, {transform_indices = #map}]} {
    %mul3A = arith.constant 2 : i32
    %mul3A_0 = arith.muli %arg1, %mul3A : i32
    %add3A = arith.addi %mul3A_0, %arg0 : i32
    %mul3A_1 = arith.constant 80 : i32
    %mul3A_2 = arith.muli %add3A, %mul3A_1 : i32
    "tpu.region"() ({
      %run_scoped3A_49 = tpu.sem_alloc : memref<!tpu.dma_semaphore, #tpu.memory_space<semaphore_mem>>
      %dma_start3A_50 = arith.constant 0 : i32
      %dma_start3A_51 = tpu.memref_slice %arg4[%mul3A_2, %dma_start3A_50] : memref<2560x128xi32, #tpu.memory_space<hbm>> -> memref<80x128xi32, #tpu.memory_space<hbm>>
      %dma_start3A_52 = arith.constant 0 : i32
      %dma_start3A_53 = tpu.memref_slice %arg4[%mul3A_2, %dma_start3A_52] : memref<2560x128xi32, #tpu.memory_space<hbm>> -> memref<80x128xi32, #tpu.memory_space<hbm>>
      tpu.enqueue_dma source(%dma_start3A_53 : memref<80x128xi32, #tpu.memory_space<hbm>>) target(%arg14 : memref<80x128xi32, #tpu.memory_space<vmem>>) target_semaphore(%run_scoped3A_49 : memref<!tpu.dma_semaphore, #tpu.memory_space<semaphore_mem>>)
      %dma_wait3A_54 = arith.constant 0 : i32
      %dma_wait3A_55 = tpu.memref_slice %arg4[%mul3A_2, %dma_wait3A_54] : memref<2560x128xi32, #tpu.memory_space<hbm>> -> memref<80x128xi32, #tpu.memory_space<hbm>>
      %dma_wait3A_56 = arith.constant 0 : i32
      %dma_wait3A_57 = tpu.memref_slice %arg4[%mul3A_2, %dma_wait3A_56] : memref<2560x128xi32, #tpu.memory_space<hbm>> -> memref<80x128xi32, #tpu.memory_space<hbm>>
      tpu.wait_dma2 semaphore(%run_scoped3A_49 : memref<!tpu.dma_semaphore, #tpu.memory_space<semaphore_mem>>) src(%dma_wait3A_57 : memref<80x128xi32, #tpu.memory_space<hbm>>) dst(%arg14 : memref<80x128xi32, #tpu.memory_space<vmem>>)
      tpu.yield
    }) : () -> ()
    %mul3A_3 = arith.constant 640 : i32
    %mul3A_4 = arith.muli %arg1, %mul3A_3 : i32
    %mul3A_5 = arith.constant 640 : i32
    %mul3A_6 = arith.muli %arg1, %mul3A_5 : i32
    "tpu.region"() ({
      %run_scoped3A_49 = tpu.sem_alloc : memref<!tpu.dma_semaphore, #tpu.memory_space<semaphore_mem>>
      %dma_start3A_50 = arith.constant 0 : i32
      %dma_start3A_51 = tpu.memref_slice %arg18[%mul3A_6, %dma_start3A_50] : memref<10240x128xf32, #tpu.memory_space<vmem_shared>> -> memref<640x128xf32, #tpu.memory_space<vmem_shared>>
      %dma_start3A_52 = arith.constant 0 : i32
      %dma_start3A_53 = tpu.memref_slice %arg5[%mul3A_4, %dma_start3A_52] : memref<10240x128xf32, #tpu.memory_space<hbm>> -> memref<640x128xf32, #tpu.memory_space<hbm>>
      tpu.enqueue_dma source(%dma_start3A_53 : memref<640x128xf32, #tpu.memory_space<hbm>>) target(%dma_start3A_51 : memref<640x128xf32, #tpu.memory_space<vmem_shared>>) target_semaphore(%run_scoped3A_49 : memref<!tpu.dma_semaphore, #tpu.memory_space<semaphore_mem>>)
      %dma_wait3A_54 = arith.constant 0 : i32
      %dma_wait3A_55 = tpu.memref_slice %arg18[%mul3A_6, %dma_wait3A_54] : memref<10240x128xf32, #tpu.memory_space<vmem_shared>> -> memref<640x128xf32, #tpu.memory_space<vmem_shared>>
      %dma_wait3A_56 = arith.constant 0 : i32
      %dma_wait3A_57 = tpu.memref_slice %arg5[%mul3A_4, %dma_wait3A_56] : memref<10240x128xf32, #tpu.memory_space<hbm>> -> memref<640x128xf32, #tpu.memory_space<hbm>>
      tpu.wait_dma2 semaphore(%run_scoped3A_49 : memref<!tpu.dma_semaphore, #tpu.memory_space<semaphore_mem>>) src(%dma_wait3A_57 : memref<640x128xf32, #tpu.memory_space<hbm>>) dst(%dma_wait3A_55 : memref<640x128xf32, #tpu.memory_space<vmem_shared>>)
      tpu.yield
    }) : () -> ()
    %barrier3A = arith.constant 0 : index
    tpu.barrier barrier_id(%barrier3A)
    %mul3A_7 = arith.constant 10240 : i32
    %mul3A_8 = arith.muli %add3A, %mul3A_7 : i32
    %add3A_9 = arith.constant 0 : i32
    %add3A_10 = arith.addi %mul3A_8, %add3A_9 : i32
    "tpu.region"() ({
      %run_scoped3A_49 = tpu.sem_alloc : memref<!tpu.dma_semaphore, #tpu.memory_space<semaphore_mem>>
      %dma_start3A_50 = tpu.memref_slice %arg3[%add3A_10] : memref<327680xi32, #tpu.memory_space<hbm>> -> memref<128xi32, #tpu.memory_space<hbm>>
      %dma_start3A_51 = tpu.memref_slice %arg3[%add3A_10] : memref<327680xi32, #tpu.memory_space<hbm>> -> memref<128xi32, #tpu.memory_space<hbm>>
      tpu.enqueue_dma source(%dma_start3A_51 : memref<128xi32, #tpu.memory_space<hbm>>) target(%arg12 : memref<128xi32, #tpu.memory_space<vmem>>) target_semaphore(%run_scoped3A_49 : memref<!tpu.dma_semaphore, #tpu.memory_space<semaphore_mem>>)
      %dma_wait3A_52 = tpu.memref_slice %arg3[%add3A_10] : memref<327680xi32, #tpu.memory_space<hbm>> -> memref<128xi32, #tpu.memory_space<hbm>>
      %dma_wait3A_53 = tpu.memref_slice %arg3[%add3A_10] : memref<327680xi32, #tpu.memory_space<hbm>> -> memref<128xi32, #tpu.memory_space<hbm>>
      tpu.wait_dma2 semaphore(%run_scoped3A_49 : memref<!tpu.dma_semaphore, #tpu.memory_space<semaphore_mem>>) src(%dma_wait3A_53 : memref<128xi32, #tpu.memory_space<hbm>>) dst(%arg12 : memref<128xi32, #tpu.memory_space<vmem>>)
      tpu.yield
    }) : () -> ()
    %dma_start3A = arith.constant 0 : i32
    %dma_start3A_11 = arith.constant 0 : i32
    %dma_start3A_12 = tpu.memref_slice %arg2[%dma_start3A, %dma_start3A_11] : memref<10240x128xf32, #tpu.memory_space<hbm>> -> memref<10240x128xf32, #tpu.memory_space<hbm>>
    tpu.enqueue_indirect_dma source(%dma_start3A_12 : memref<10240x128xf32, #tpu.memory_space<hbm>>) target(%arg15 : memref<128x128xf32, #tpu.memory_space<vmem>>) offsets(%arg12 : memref<128xi32, #tpu.memory_space<vmem>>) semaphore(%arg19 : memref<!tpu.dma_semaphore, #tpu.memory_space<semaphore_mem>>)
    %mul3A_13 = arith.constant 10240 : i32
    %mul3A_14 = arith.muli %add3A, %mul3A_13 : i32
    %add3A_15 = arith.constant 128 : i32
    %add3A_16 = arith.addi %mul3A_14, %add3A_15 : i32
    "tpu.region"() ({
      %run_scoped3A_49 = tpu.sem_alloc : memref<!tpu.dma_semaphore, #tpu.memory_space<semaphore_mem>>
      %dma_start3A_50 = tpu.memref_slice %arg3[%add3A_16] : memref<327680xi32, #tpu.memory_space<hbm>> -> memref<128xi32, #tpu.memory_space<hbm>>
      %dma_start3A_51 = tpu.memref_slice %arg3[%add3A_16] : memref<327680xi32, #tpu.memory_space<hbm>> -> memref<128xi32, #tpu.memory_space<hbm>>
      tpu.enqueue_dma source(%dma_start3A_51 : memref<128xi32, #tpu.memory_space<hbm>>) target(%arg13 : memref<128xi32, #tpu.memory_space<vmem>>) target_semaphore(%run_scoped3A_49 : memref<!tpu.dma_semaphore, #tpu.memory_space<semaphore_mem>>)
      %dma_wait3A_52 = tpu.memref_slice %arg3[%add3A_16] : memref<327680xi32, #tpu.memory_space<hbm>> -> memref<128xi32, #tpu.memory_space<hbm>>
      %dma_wait3A_53 = tpu.memref_slice %arg3[%add3A_16] : memref<327680xi32, #tpu.memory_space<hbm>> -> memref<128xi32, #tpu.memory_space<hbm>>
      tpu.wait_dma2 semaphore(%run_scoped3A_49 : memref<!tpu.dma_semaphore, #tpu.memory_space<semaphore_mem>>) src(%dma_wait3A_53 : memref<128xi32, #tpu.memory_space<hbm>>) dst(%arg13 : memref<128xi32, #tpu.memory_space<vmem>>)
      tpu.yield
    }) : () -> ()
    %dma_start3A_17 = arith.constant 0 : i32
    %dma_start3A_18 = arith.constant 0 : i32
    %dma_start3A_19 = tpu.memref_slice %arg2[%dma_start3A_17, %dma_start3A_18] : memref<10240x128xf32, #tpu.memory_space<hbm>> -> memref<10240x128xf32, #tpu.memory_space<hbm>>
    tpu.enqueue_indirect_dma source(%dma_start3A_19 : memref<10240x128xf32, #tpu.memory_space<hbm>>) target(%arg16 : memref<128x128xf32, #tpu.memory_space<vmem>>) offsets(%arg13 : memref<128xi32, #tpu.memory_space<vmem>>) semaphore(%arg20 : memref<!tpu.dma_semaphore, #tpu.memory_space<semaphore_mem>>)
    %scan3A = arith.constant 0 : i32
    %scan3A_20 = arith.constant 39 : i32
    %scan3A_21 = arith.addi %scan3A, %scan3A_20 : i32
    %scan3A_22 = arith.constant 1 : i32
    scf.for %scan3A_49 = %scan3A to %scan3A_21 step %scan3A_22  : i32 {
      %mul3A_50 = arith.constant 2 : i32
      %mul3A_51 = arith.muli %scan3A_49, %mul3A_50 : i32
      %add3A_52 = arith.constant 0 : i32
      %add3A_53 = arith.addi %add3A_52, %mul3A_51 : i32
      %dma_wait3A_54 = arith.constant 0 : i32
      %dma_wait3A_55 = arith.constant 0 : i32
      %dma_wait3A_56 = tpu.memref_slice %arg2[%dma_wait3A_54, %dma_wait3A_55] : memref<10240x128xf32, #tpu.memory_space<hbm>> -> memref<10240x128xf32, #tpu.memory_space<hbm>>
      tpu.wait_indirect_dma semaphore(%arg19 : memref<!tpu.dma_semaphore, #tpu.memory_space<semaphore_mem>>) src(%dma_wait3A_56 : memref<10240x128xf32, #tpu.memory_space<hbm>>) dst(%arg15 : memref<128x128xf32, #tpu.memory_space<vmem>>)
      "tpu.region"() ({
        %run_scoped3A_84 = tpu.sem_alloc : memref<!tpu.dma_semaphore, #tpu.memory_space<semaphore_mem>>
        %dma_start3A_85 = arith.constant 0 : i32
        %dma_start3A_86 = tpu.memref_slice %arg14[%add3A_53, %dma_start3A_85] : memref<80x128xi32, #tpu.memory_space<vmem>> -> memref<1x128xi32, #tpu.memory_space<vmem>>
        %dma_start3A_87 = tpu.memref_squeeze %dma_start3A_86 : memref<1x128xi32, #tpu.memory_space<vmem>> -> memref<128xi32, #tpu.memory_space<vmem>>
        %dma_start3A_88 = arith.constant 0 : i32
        %dma_start3A_89 = arith.constant 0 : i32
        %dma_start3A_90 = tpu.memref_slice %arg18[%dma_start3A_88, %dma_start3A_89] : memref<10240x128xf32, #tpu.memory_space<vmem_shared>> -> memref<10240x128xf32, #tpu.memory_space<vmem_shared>>
        tpu.enqueue_indirect_dma source(%arg15 : memref<128x128xf32, #tpu.memory_space<vmem>>) target(%dma_start3A_90 : memref<10240x128xf32, #tpu.memory_space<vmem_shared>>) offsets(%dma_start3A_87 : memref<128xi32, #tpu.memory_space<vmem>>) semaphore(%run_scoped3A_84 : memref<!tpu.dma_semaphore, #tpu.memory_space<semaphore_mem>>) {add = true}
        %dma_wait3A_91 = arith.constant 0 : i32
        %dma_wait3A_92 = tpu.memref_slice %arg14[%add3A_53, %dma_wait3A_91] : memref<80x128xi32, #tpu.memory_space<vmem>> -> memref<1x128xi32, #tpu.memory_space<vmem>>
        %dma_wait3A_93 = tpu.memref_squeeze %dma_wait3A_92 : memref<1x128xi32, #tpu.memory_space<vmem>> -> memref<128xi32, #tpu.memory_space<vmem>>
        %dma_wait3A_94 = arith.constant 0 : i32
        %dma_wait3A_95 = arith.constant 0 : i32
        %dma_wait3A_96 = tpu.memref_slice %arg18[%dma_wait3A_94, %dma_wait3A_95] : memref<10240x128xf32, #tpu.memory_space<vmem_shared>> -> memref<10240x128xf32, #tpu.memory_space<vmem_shared>>
        tpu.wait_indirect_dma semaphore(%run_scoped3A_84 : memref<!tpu.dma_semaphore, #tpu.memory_space<semaphore_mem>>) src(%arg15 : memref<128x128xf32, #tpu.memory_space<vmem>>) dst(%dma_wait3A_96 : memref<10240x128xf32, #tpu.memory_space<vmem_shared>>)
        tpu.yield
      }) : () -> ()
      %add3A_57 = arith.constant 2 : i32
      %add3A_58 = arith.addi %add3A_53, %add3A_57 : i32
      %mul3A_59 = arith.constant 10240 : i32
      %mul3A_60 = arith.muli %add3A, %mul3A_59 : i32
      %mul3A_61 = arith.constant 128 : i32
      %mul3A_62 = arith.muli %add3A_58, %mul3A_61 : i32
      %add3A_63 = arith.addi %mul3A_60, %mul3A_62 : i32
      "tpu.region"() ({
        %run_scoped3A_84 = tpu.sem_alloc : memref<!tpu.dma_semaphore, #tpu.memory_space<semaphore_mem>>
        %dma_start3A_85 = tpu.memref_slice %arg3[%add3A_63] : memref<327680xi32, #tpu.memory_space<hbm>> -> memref<128xi32, #tpu.memory_space<hbm>>
        %dma_start3A_86 = tpu.memref_slice %arg3[%add3A_63] : memref<327680xi32, #tpu.memory_space<hbm>> -> memref<128xi32, #tpu.memory_space<hbm>>
        tpu.enqueue_dma source(%dma_start3A_86 : memref<128xi32, #tpu.memory_space<hbm>>) target(%arg12 : memref<128xi32, #tpu.memory_space<vmem>>) target_semaphore(%run_scoped3A_84 : memref<!tpu.dma_semaphore, #tpu.memory_space<semaphore_mem>>)
        %dma_wait3A_87 = tpu.memref_slice %arg3[%add3A_63] : memref<327680xi32, #tpu.memory_space<hbm>> -> memref<128xi32, #tpu.memory_space<hbm>>
        %dma_wait3A_88 = tpu.memref_slice %arg3[%add3A_63] : memref<327680xi32, #tpu.memory_space<hbm>> -> memref<128xi32, #tpu.memory_space<hbm>>
        tpu.wait_dma2 semaphore(%run_scoped3A_84 : memref<!tpu.dma_semaphore, #tpu.memory_space<semaphore_mem>>) src(%dma_wait3A_88 : memref<128xi32, #tpu.memory_space<hbm>>) dst(%arg12 : memref<128xi32, #tpu.memory_space<vmem>>)
        tpu.yield
      }) : () -> ()
      %dma_start3A_64 = arith.constant 0 : i32
      %dma_start3A_65 = arith.constant 0 : i32
      %dma_start3A_66 = tpu.memref_slice %arg2[%dma_start3A_64, %dma_start3A_65] : memref<10240x128xf32, #tpu.memory_space<hbm>> -> memref<10240x128xf32, #tpu.memory_space<hbm>>
      tpu.enqueue_indirect_dma source(%dma_start3A_66 : memref<10240x128xf32, #tpu.memory_space<hbm>>) target(%arg15 : memref<128x128xf32, #tpu.memory_space<vmem>>) offsets(%arg12 : memref<128xi32, #tpu.memory_space<vmem>>) semaphore(%arg19 : memref<!tpu.dma_semaphore, #tpu.memory_space<semaphore_mem>>)
      %add3A_67 = arith.constant 1 : i32
      %add3A_68 = arith.addi %add3A_53, %add3A_67 : i32
      %dma_wait3A_69 = arith.constant 0 : i32
      %dma_wait3A_70 = arith.constant 0 : i32
      %dma_wait3A_71 = tpu.memref_slice %arg2[%dma_wait3A_69, %dma_wait3A_70] : memref<10240x128xf32, #tpu.memory_space<hbm>> -> memref<10240x128xf32, #tpu.memory_space<hbm>>
      tpu.wait_indirect_dma semaphore(%arg20 : memref<!tpu.dma_semaphore, #tpu.memory_space<semaphore_mem>>) src(%dma_wait3A_71 : memref<10240x128xf32, #tpu.memory_space<hbm>>) dst(%arg16 : memref<128x128xf32, #tpu.memory_space<vmem>>)
      %add3A_72 = arith.constant 1 : i32
      %add3A_73 = arith.addi %add3A_53, %add3A_72 : i32
      "tpu.region"() ({
        %run_scoped3A_84 = tpu.sem_alloc : memref<!tpu.dma_semaphore, #tpu.memory_space<semaphore_mem>>
        %dma_start3A_85 = arith.constant 0 : i32
        %dma_start3A_86 = tpu.memref_slice %arg14[%add3A_73, %dma_start3A_85] : memref<80x128xi32, #tpu.memory_space<vmem>> -> memref<1x128xi32, #tpu.memory_space<vmem>>
        %dma_start3A_87 = tpu.memref_squeeze %dma_start3A_86 : memref<1x128xi32, #tpu.memory_space<vmem>> -> memref<128xi32, #tpu.memory_space<vmem>>
        %dma_start3A_88 = arith.constant 0 : i32
        %dma_start3A_89 = arith.constant 0 : i32
        %dma_start3A_90 = tpu.memref_slice %arg18[%dma_start3A_88, %dma_start3A_89] : memref<10240x128xf32, #tpu.memory_space<vmem_shared>> -> memref<10240x128xf32, #tpu.memory_space<vmem_shared>>
        tpu.enqueue_indirect_dma source(%arg16 : memref<128x128xf32, #tpu.memory_space<vmem>>) target(%dma_start3A_90 : memref<10240x128xf32, #tpu.memory_space<vmem_shared>>) offsets(%dma_start3A_87 : memref<128xi32, #tpu.memory_space<vmem>>) semaphore(%run_scoped3A_84 : memref<!tpu.dma_semaphore, #tpu.memory_space<semaphore_mem>>) {add = true}
        %dma_wait3A_91 = arith.constant 0 : i32
        %dma_wait3A_92 = tpu.memref_slice %arg14[%add3A_73, %dma_wait3A_91] : memref<80x128xi32, #tpu.memory_space<vmem>> -> memref<1x128xi32, #tpu.memory_space<vmem>>
        %dma_wait3A_93 = tpu.memref_squeeze %dma_wait3A_92 : memref<1x128xi32, #tpu.memory_space<vmem>> -> memref<128xi32, #tpu.memory_space<vmem>>
        %dma_wait3A_94 = arith.constant 0 : i32
        %dma_wait3A_95 = arith.constant 0 : i32
        %dma_wait3A_96 = tpu.memref_slice %arg18[%dma_wait3A_94, %dma_wait3A_95] : memref<10240x128xf32, #tpu.memory_space<vmem_shared>> -> memref<10240x128xf32, #tpu.memory_space<vmem_shared>>
        tpu.wait_indirect_dma semaphore(%run_scoped3A_84 : memref<!tpu.dma_semaphore, #tpu.memory_space<semaphore_mem>>) src(%arg16 : memref<128x128xf32, #tpu.memory_space<vmem>>) dst(%dma_wait3A_96 : memref<10240x128xf32, #tpu.memory_space<vmem_shared>>)
        tpu.yield
      }) : () -> ()
      %add3A_74 = arith.constant 3 : i32
      %add3A_75 = arith.addi %add3A_53, %add3A_74 : i32
      %mul3A_76 = arith.constant 10240 : i32
      %mul3A_77 = arith.muli %add3A, %mul3A_76 : i32
      %mul3A_78 = arith.constant 128 : i32
      %mul3A_79 = arith.muli %add3A_75, %mul3A_78 : i32
      %add3A_80 = arith.addi %mul3A_77, %mul3A_79 : i32
      "tpu.region"() ({
        %run_scoped3A_84 = tpu.sem_alloc : memref<!tpu.dma_semaphore, #tpu.memory_space<semaphore_mem>>
        %dma_start3A_85 = tpu.memref_slice %arg3[%add3A_80] : memref<327680xi32, #tpu.memory_space<hbm>> -> memref<128xi32, #tpu.memory_space<hbm>>
        %dma_start3A_86 = tpu.memref_slice %arg3[%add3A_80] : memref<327680xi32, #tpu.memory_space<hbm>> -> memref<128xi32, #tpu.memory_space<hbm>>
        tpu.enqueue_dma source(%dma_start3A_86 : memref<128xi32, #tpu.memory_space<hbm>>) target(%arg13 : memref<128xi32, #tpu.memory_space<vmem>>) target_semaphore(%run_scoped3A_84 : memref<!tpu.dma_semaphore, #tpu.memory_space<semaphore_mem>>)
        %dma_wait3A_87 = tpu.memref_slice %arg3[%add3A_80] : memref<327680xi32, #tpu.memory_space<hbm>> -> memref<128xi32, #tpu.memory_space<hbm>>
        %dma_wait3A_88 = tpu.memref_slice %arg3[%add3A_80] : memref<327680xi32, #tpu.memory_space<hbm>> -> memref<128xi32, #tpu.memory_space<hbm>>
        tpu.wait_dma2 semaphore(%run_scoped3A_84 : memref<!tpu.dma_semaphore, #tpu.memory_space<semaphore_mem>>) src(%dma_wait3A_88 : memref<128xi32, #tpu.memory_space<hbm>>) dst(%arg13 : memref<128xi32, #tpu.memory_space<vmem>>)
        tpu.yield
      }) : () -> ()
      %dma_start3A_81 = arith.constant 0 : i32
      %dma_start3A_82 = arith.constant 0 : i32
      %dma_start3A_83 = tpu.memref_slice %arg2[%dma_start3A_81, %dma_start3A_82] : memref<10240x128xf32, #tpu.memory_space<hbm>> -> memref<10240x128xf32, #tpu.memory_space<hbm>>
      tpu.enqueue_indirect_dma source(%dma_start3A_83 : memref<10240x128xf32, #tpu.memory_space<hbm>>) target(%arg16 : memref<128x128xf32, #tpu.memory_space<vmem>>) offsets(%arg13 : memref<128xi32, #tpu.memory_space<vmem>>) semaphore(%arg20 : memref<!tpu.dma_semaphore, #tpu.memory_space<semaphore_mem>>)
    }
    %scan3A_23 = arith.constant 39 : i32
    %dma_wait3A = arith.constant 0 : i32
    %dma_wait3A_24 = arith.constant 0 : i32
    %dma_wait3A_25 = tpu.memref_slice %arg2[%dma_wait3A, %dma_wait3A_24] : memref<10240x128xf32, #tpu.memory_space<hbm>> -> memref<10240x128xf32, #tpu.memory_space<hbm>>
    tpu.wait_indirect_dma semaphore(%arg19 : memref<!tpu.dma_semaphore, #tpu.memory_space<semaphore_mem>>) src(%dma_wait3A_25 : memref<10240x128xf32, #tpu.memory_space<hbm>>) dst(%arg15 : memref<128x128xf32, #tpu.memory_space<vmem>>)
    %run_scoped3A = arith.constant 78 : i32
    "tpu.region"() ({
      %run_scoped3A_49 = tpu.sem_alloc : memref<!tpu.dma_semaphore, #tpu.memory_space<semaphore_mem>>
      %dma_start3A_50 = arith.constant 0 : i32
      %dma_start3A_51 = tpu.memref_slice %arg14[%run_scoped3A, %dma_start3A_50] : memref<80x128xi32, #tpu.memory_space<vmem>> -> memref<1x128xi32, #tpu.memory_space<vmem>>
      %dma_start3A_52 = tpu.memref_squeeze %dma_start3A_51 : memref<1x128xi32, #tpu.memory_space<vmem>> -> memref<128xi32, #tpu.memory_space<vmem>>
      %dma_start3A_53 = arith.constant 0 : i32
      %dma_start3A_54 = arith.constant 0 : i32
      %dma_start3A_55 = tpu.memref_slice %arg18[%dma_start3A_53, %dma_start3A_54] : memref<10240x128xf32, #tpu.memory_space<vmem_shared>> -> memref<10240x128xf32, #tpu.memory_space<vmem_shared>>
      tpu.enqueue_indirect_dma source(%arg15 : memref<128x128xf32, #tpu.memory_space<vmem>>) target(%dma_start3A_55 : memref<10240x128xf32, #tpu.memory_space<vmem_shared>>) offsets(%dma_start3A_52 : memref<128xi32, #tpu.memory_space<vmem>>) semaphore(%run_scoped3A_49 : memref<!tpu.dma_semaphore, #tpu.memory_space<semaphore_mem>>) {add = true}
      %dma_wait3A_56 = arith.constant 0 : i32
      %dma_wait3A_57 = tpu.memref_slice %arg14[%run_scoped3A, %dma_wait3A_56] : memref<80x128xi32, #tpu.memory_space<vmem>> -> memref<1x128xi32, #tpu.memory_space<vmem>>
      %dma_wait3A_58 = tpu.memref_squeeze %dma_wait3A_57 : memref<1x128xi32, #tpu.memory_space<vmem>> -> memref<128xi32, #tpu.memory_space<vmem>>
      %dma_wait3A_59 = arith.constant 0 : i32
      %dma_wait3A_60 = arith.constant 0 : i32
      %dma_wait3A_61 = tpu.memref_slice %arg18[%dma_wait3A_59, %dma_wait3A_60] : memref<10240x128xf32, #tpu.memory_space<vmem_shared>> -> memref<10240x128xf32, #tpu.memory_space<vmem_shared>>
      tpu.wait_indirect_dma semaphore(%run_scoped3A_49 : memref<!tpu.dma_semaphore, #tpu.memory_space<semaphore_mem>>) src(%arg15 : memref<128x128xf32, #tpu.memory_space<vmem>>) dst(%dma_wait3A_61 : memref<10240x128xf32, #tpu.memory_space<vmem_shared>>)
      tpu.yield
    }) : () -> ()
    %dma_wait3A_26 = arith.constant 0 : i32
    %dma_wait3A_27 = arith.constant 0 : i32
    %dma_wait3A_28 = tpu.memref_slice %arg2[%dma_wait3A_26, %dma_wait3A_27] : memref<10240x128xf32, #tpu.memory_space<hbm>> -> memref<10240x128xf32, #tpu.memory_space<hbm>>
    tpu.wait_indirect_dma semaphore(%arg20 : memref<!tpu.dma_semaphore, #tpu.memory_space<semaphore_mem>>) src(%dma_wait3A_28 : memref<10240x128xf32, #tpu.memory_space<hbm>>) dst(%arg16 : memref<128x128xf32, #tpu.memory_space<vmem>>)
    %run_scoped3A_29 = arith.constant 79 : i32
    "tpu.region"() ({
      %run_scoped3A_49 = tpu.sem_alloc : memref<!tpu.dma_semaphore, #tpu.memory_space<semaphore_mem>>
      %dma_start3A_50 = arith.constant 0 : i32
      %dma_start3A_51 = tpu.memref_slice %arg14[%run_scoped3A_29, %dma_start3A_50] : memref<80x128xi32, #tpu.memory_space<vmem>> -> memref<1x128xi32, #tpu.memory_space<vmem>>
      %dma_start3A_52 = tpu.memref_squeeze %dma_start3A_51 : memref<1x128xi32, #tpu.memory_space<vmem>> -> memref<128xi32, #tpu.memory_space<vmem>>
      %dma_start3A_53 = arith.constant 0 : i32
      %dma_start3A_54 = arith.constant 0 : i32
      %dma_start3A_55 = tpu.memref_slice %arg18[%dma_start3A_53, %dma_start3A_54] : memref<10240x128xf32, #tpu.memory_space<vmem_shared>> -> memref<10240x128xf32, #tpu.memory_space<vmem_shared>>
      tpu.enqueue_indirect_dma source(%arg16 : memref<128x128xf32, #tpu.memory_space<vmem>>) target(%dma_start3A_55 : memref<10240x128xf32, #tpu.memory_space<vmem_shared>>) offsets(%dma_start3A_52 : memref<128xi32, #tpu.memory_space<vmem>>) semaphore(%run_scoped3A_49 : memref<!tpu.dma_semaphore, #tpu.memory_space<semaphore_mem>>) {add = true}
      %dma_wait3A_56 = arith.constant 0 : i32
      %dma_wait3A_57 = tpu.memref_slice %arg14[%run_scoped3A_29, %dma_wait3A_56] : memref<80x128xi32, #tpu.memory_space<vmem>> -> memref<1x128xi32, #tpu.memory_space<vmem>>
      %dma_wait3A_58 = tpu.memref_squeeze %dma_wait3A_57 : memref<1x128xi32, #tpu.memory_space<vmem>> -> memref<128xi32, #tpu.memory_space<vmem>>
      %dma_wait3A_59 = arith.constant 0 : i32
      %dma_wait3A_60 = arith.constant 0 : i32
      %dma_wait3A_61 = tpu.memref_slice %arg18[%dma_wait3A_59, %dma_wait3A_60] : memref<10240x128xf32, #tpu.memory_space<vmem_shared>> -> memref<10240x128xf32, #tpu.memory_space<vmem_shared>>
      tpu.wait_indirect_dma semaphore(%run_scoped3A_49 : memref<!tpu.dma_semaphore, #tpu.memory_space<semaphore_mem>>) src(%arg16 : memref<128x128xf32, #tpu.memory_space<vmem>>) dst(%dma_wait3A_61 : memref<10240x128xf32, #tpu.memory_space<vmem_shared>>)
      tpu.yield
    }) : () -> ()
    %barrier3A_30 = arith.constant 0 : index
    tpu.barrier barrier_id(%barrier3A_30)
    %mul3A_31 = arith.constant 640 : i32
    %mul3A_32 = arith.muli %arg1, %mul3A_31 : i32
    %mul3A_33 = arith.constant 10240 : i32
    %mul3A_34 = arith.muli %arg0, %mul3A_33 : i32
    %mul3A_35 = arith.constant 640 : i32
    %mul3A_36 = arith.muli %arg1, %mul3A_35 : i32
    %add3A_37 = arith.addi %mul3A_34, %mul3A_36 : i32
    "tpu.region"() ({
      %run_scoped3A_49 = tpu.sem_alloc : memref<!tpu.dma_semaphore, #tpu.memory_space<semaphore_mem>>
      %dma_start3A_50 = arith.constant 0 : i32
      %dma_start3A_51 = tpu.memref_slice %arg9[%add3A_37, %dma_start3A_50] : memref<20480x128xf32, #tpu.memory_space<hbm>> -> memref<640x128xf32, #tpu.memory_space<hbm>>
      %dma_start3A_52 = arith.constant 0 : i32
      %dma_start3A_53 = tpu.memref_slice %arg18[%mul3A_32, %dma_start3A_52] : memref<10240x128xf32, #tpu.memory_space<vmem_shared>> -> memref<640x128xf32, #tpu.memory_space<vmem_shared>>
      tpu.enqueue_dma source(%dma_start3A_53 : memref<640x128xf32, #tpu.memory_space<vmem_shared>>) target(%dma_start3A_51 : memref<640x128xf32, #tpu.memory_space<hbm>>) target_semaphore(%run_scoped3A_49 : memref<!tpu.dma_semaphore, #tpu.memory_space<semaphore_mem>>)
      %dma_wait3A_54 = arith.constant 0 : i32
      %dma_wait3A_55 = tpu.memref_slice %arg9[%add3A_37, %dma_wait3A_54] : memref<20480x128xf32, #tpu.memory_space<hbm>> -> memref<640x128xf32, #tpu.memory_space<hbm>>
      %dma_wait3A_56 = arith.constant 0 : i32
      %dma_wait3A_57 = tpu.memref_slice %arg18[%mul3A_32, %dma_wait3A_56] : memref<10240x128xf32, #tpu.memory_space<vmem_shared>> -> memref<640x128xf32, #tpu.memory_space<vmem_shared>>
      tpu.wait_dma2 semaphore(%run_scoped3A_49 : memref<!tpu.dma_semaphore, #tpu.memory_space<semaphore_mem>>) src(%dma_wait3A_57 : memref<640x128xf32, #tpu.memory_space<vmem_shared>>) dst(%dma_wait3A_55 : memref<640x128xf32, #tpu.memory_space<hbm>>)
      tpu.yield
    }) : () -> ()
    %barrier3A_38 = arith.constant 0 : index
    tpu.barrier barrier_id(%barrier3A_38)
    %scan3A_39 = arith.constant 0 : i32
    %scan3A_40 = arith.constant 4 : i32
    %scan3A_41 = arith.addi %scan3A_39, %scan3A_40 : i32
    %scan3A_42 = arith.constant 1 : i32
    scf.for %scan3A_49 = %scan3A_39 to %scan3A_41 step %scan3A_42  : i32 {
      %mul3A_50 = arith.constant 1 : i32
      %mul3A_51 = arith.muli %scan3A_49, %mul3A_50 : i32
      %add3A_52 = arith.constant 0 : i32
      %add3A_53 = arith.addi %add3A_52, %mul3A_51 : i32
      %mul3A_54 = arith.constant 512 : i32
      %mul3A_55 = arith.muli %arg1, %mul3A_54 : i32
      %mul3A_56 = arith.constant 128 : i32
      %mul3A_57 = arith.muli %add3A_53, %mul3A_56 : i32
      %add3A_58 = arith.addi %mul3A_55, %mul3A_57 : i32
      "tpu.region"() ({
        %run_scoped3A_68 = tpu.sem_alloc : memref<!tpu.dma_semaphore, #tpu.memory_space<semaphore_mem>>
        %dma_start3A_69 = tpu.memref_slice %arg6[%add3A_58] : memref<8192xi32, #tpu.memory_space<hbm>> -> memref<128xi32, #tpu.memory_space<hbm>>
        %dma_start3A_70 = tpu.memref_slice %arg6[%add3A_58] : memref<8192xi32, #tpu.memory_space<hbm>> -> memref<128xi32, #tpu.memory_space<hbm>>
        tpu.enqueue_dma source(%dma_start3A_70 : memref<128xi32, #tpu.memory_space<hbm>>) target(%arg17 : memref<128xi32, #tpu.memory_space<vmem>>) target_semaphore(%run_scoped3A_68 : memref<!tpu.dma_semaphore, #tpu.memory_space<semaphore_mem>>)
        %dma_wait3A_71 = tpu.memref_slice %arg6[%add3A_58] : memref<8192xi32, #tpu.memory_space<hbm>> -> memref<128xi32, #tpu.memory_space<hbm>>
        %dma_wait3A_72 = tpu.memref_slice %arg6[%add3A_58] : memref<8192xi32, #tpu.memory_space<hbm>> -> memref<128xi32, #tpu.memory_space<hbm>>
        tpu.wait_dma2 semaphore(%run_scoped3A_68 : memref<!tpu.dma_semaphore, #tpu.memory_space<semaphore_mem>>) src(%dma_wait3A_72 : memref<128xi32, #tpu.memory_space<hbm>>) dst(%arg17 : memref<128xi32, #tpu.memory_space<vmem>>)
        tpu.yield
      }) : () -> ()
      %dma_start3A_59 = arith.constant 0 : i32
      %dma_start3A_60 = arith.constant 0 : i32
      %dma_start3A_61 = tpu.memref_slice %arg18[%dma_start3A_59, %dma_start3A_60] : memref<10240x128xf32, #tpu.memory_space<vmem_shared>> -> memref<10240x128xf32, #tpu.memory_space<vmem_shared>>
      tpu.enqueue_indirect_dma source(%dma_start3A_61 : memref<10240x128xf32, #tpu.memory_space<vmem_shared>>) target(%arg15 : memref<128x128xf32, #tpu.memory_space<vmem>>) offsets(%arg17 : memref<128xi32, #tpu.memory_space<vmem>>) semaphore(%arg19 : memref<!tpu.dma_semaphore, #tpu.memory_space<semaphore_mem>>)
      %dma_wait3A_62 = arith.constant 0 : i32
      %dma_wait3A_63 = arith.constant 0 : i32
      %dma_wait3A_64 = tpu.memref_slice %arg18[%dma_wait3A_62, %dma_wait3A_63] : memref<10240x128xf32, #tpu.memory_space<vmem_shared>> -> memref<10240x128xf32, #tpu.memory_space<vmem_shared>>
      tpu.wait_indirect_dma semaphore(%arg19 : memref<!tpu.dma_semaphore, #tpu.memory_space<semaphore_mem>>) src(%dma_wait3A_64 : memref<10240x128xf32, #tpu.memory_space<vmem_shared>>) dst(%arg15 : memref<128x128xf32, #tpu.memory_space<vmem>>)
      %mul3A_65 = arith.constant 8192 : i32
      %mul3A_66 = arith.muli %arg0, %mul3A_65 : i32
      %add3A_67 = arith.addi %mul3A_66, %add3A_58 : i32
      "tpu.region"() ({
        %run_scoped3A_68 = tpu.sem_alloc : memref<!tpu.dma_semaphore, #tpu.memory_space<semaphore_mem>>
        %dma_start3A_69 = arith.constant 0 : i32
        %dma_start3A_70 = tpu.memref_slice %arg10[%add3A_67, %dma_start3A_69] : memref<16384x128xf32, #tpu.memory_space<hbm>> -> memref<128x128xf32, #tpu.memory_space<hbm>>
        %dma_start3A_71 = arith.constant 0 : i32
        %dma_start3A_72 = tpu.memref_slice %arg10[%add3A_67, %dma_start3A_71] : memref<16384x128xf32, #tpu.memory_space<hbm>> -> memref<128x128xf32, #tpu.memory_space<hbm>>
        tpu.enqueue_dma source(%arg15 : memref<128x128xf32, #tpu.memory_space<vmem>>) target(%dma_start3A_72 : memref<128x128xf32, #tpu.memory_space<hbm>>) target_semaphore(%run_scoped3A_68 : memref<!tpu.dma_semaphore, #tpu.memory_space<semaphore_mem>>)
        %dma_wait3A_73 = arith.constant 0 : i32
        %dma_wait3A_74 = tpu.memref_slice %arg10[%add3A_67, %dma_wait3A_73] : memref<16384x128xf32, #tpu.memory_space<hbm>> -> memref<128x128xf32, #tpu.memory_space<hbm>>
        %dma_wait3A_75 = arith.constant 0 : i32
        %dma_wait3A_76 = tpu.memref_slice %arg10[%add3A_67, %dma_wait3A_75] : memref<16384x128xf32, #tpu.memory_space<hbm>> -> memref<128x128xf32, #tpu.memory_space<hbm>>
        tpu.wait_dma2 semaphore(%run_scoped3A_68 : memref<!tpu.dma_semaphore, #tpu.memory_space<semaphore_mem>>) src(%arg15 : memref<128x128xf32, #tpu.memory_space<vmem>>) dst(%dma_wait3A_76 : memref<128x128xf32, #tpu.memory_space<hbm>>)
        tpu.yield
      }) : () -> ()
    }
    %scan3A_43 = arith.constant 4 : i32
    %scan3A_44 = arith.constant 0 : i32
    %scan3A_45 = arith.constant 2 : i32
    %scan3A_46 = arith.addi %scan3A_44, %scan3A_45 : i32
    %scan3A_47 = arith.constant 1 : i32
    scf.for %scan3A_49 = %scan3A_44 to %scan3A_46 step %scan3A_47  : i32 {
      %mul3A_50 = arith.constant 1 : i32
      %mul3A_51 = arith.muli %scan3A_49, %mul3A_50 : i32
      %add3A_52 = arith.constant 0 : i32
      %add3A_53 = arith.addi %add3A_52, %mul3A_51 : i32
      %mul3A_54 = arith.constant 256 : i32
      %mul3A_55 = arith.muli %add3A, %mul3A_54 : i32
      %mul3A_56 = arith.constant 128 : i32
      %mul3A_57 = arith.muli %add3A_53, %mul3A_56 : i32
      %add3A_58 = arith.addi %mul3A_55, %mul3A_57 : i32
      "tpu.region"() ({
        %run_scoped3A_65 = tpu.sem_alloc : memref<!tpu.dma_semaphore, #tpu.memory_space<semaphore_mem>>
        %dma_start3A_66 = tpu.memref_slice %arg7[%add3A_58] : memref<8192xi32, #tpu.memory_space<hbm>> -> memref<128xi32, #tpu.memory_space<hbm>>
        %dma_start3A_67 = tpu.memref_slice %arg7[%add3A_58] : memref<8192xi32, #tpu.memory_space<hbm>> -> memref<128xi32, #tpu.memory_space<hbm>>
        tpu.enqueue_dma source(%dma_start3A_67 : memref<128xi32, #tpu.memory_space<hbm>>) target(%arg17 : memref<128xi32, #tpu.memory_space<vmem>>) target_semaphore(%run_scoped3A_65 : memref<!tpu.dma_semaphore, #tpu.memory_space<semaphore_mem>>)
        %dma_wait3A_68 = tpu.memref_slice %arg7[%add3A_58] : memref<8192xi32, #tpu.memory_space<hbm>> -> memref<128xi32, #tpu.memory_space<hbm>>
        %dma_wait3A_69 = tpu.memref_slice %arg7[%add3A_58] : memref<8192xi32, #tpu.memory_space<hbm>> -> memref<128xi32, #tpu.memory_space<hbm>>
        tpu.wait_dma2 semaphore(%run_scoped3A_65 : memref<!tpu.dma_semaphore, #tpu.memory_space<semaphore_mem>>) src(%dma_wait3A_69 : memref<128xi32, #tpu.memory_space<hbm>>) dst(%arg17 : memref<128xi32, #tpu.memory_space<vmem>>)
        tpu.yield
      }) : () -> ()
      %dma_start3A_59 = arith.constant 0 : i32
      %dma_start3A_60 = arith.constant 0 : i32
      %dma_start3A_61 = tpu.memref_slice %arg8[%dma_start3A_59, %dma_start3A_60] : memref<10240x128xf32, #tpu.memory_space<hbm>> -> memref<10240x128xf32, #tpu.memory_space<hbm>>
      tpu.enqueue_indirect_dma source(%dma_start3A_61 : memref<10240x128xf32, #tpu.memory_space<hbm>>) target(%arg15 : memref<128x128xf32, #tpu.memory_space<vmem>>) offsets(%arg17 : memref<128xi32, #tpu.memory_space<vmem>>) semaphore(%arg19 : memref<!tpu.dma_semaphore, #tpu.memory_space<semaphore_mem>>)
      %dma_wait3A_62 = arith.constant 0 : i32
      %dma_wait3A_63 = arith.constant 0 : i32
      %dma_wait3A_64 = tpu.memref_slice %arg8[%dma_wait3A_62, %dma_wait3A_63] : memref<10240x128xf32, #tpu.memory_space<hbm>> -> memref<10240x128xf32, #tpu.memory_space<hbm>>
      tpu.wait_indirect_dma semaphore(%arg19 : memref<!tpu.dma_semaphore, #tpu.memory_space<semaphore_mem>>) src(%dma_wait3A_64 : memref<10240x128xf32, #tpu.memory_space<hbm>>) dst(%arg15 : memref<128x128xf32, #tpu.memory_space<vmem>>)
      "tpu.region"() ({
        %run_scoped3A_65 = tpu.sem_alloc : memref<!tpu.dma_semaphore, #tpu.memory_space<semaphore_mem>>
        %dma_start3A_66 = arith.constant 0 : i32
        %dma_start3A_67 = tpu.memref_slice %arg11[%add3A_58, %dma_start3A_66] : memref<8192x128xf32, #tpu.memory_space<hbm>> -> memref<128x128xf32, #tpu.memory_space<hbm>>
        %dma_start3A_68 = arith.constant 0 : i32
        %dma_start3A_69 = tpu.memref_slice %arg11[%add3A_58, %dma_start3A_68] : memref<8192x128xf32, #tpu.memory_space<hbm>> -> memref<128x128xf32, #tpu.memory_space<hbm>>
        tpu.enqueue_dma source(%arg15 : memref<128x128xf32, #tpu.memory_space<vmem>>) target(%dma_start3A_69 : memref<128x128xf32, #tpu.memory_space<hbm>>) target_semaphore(%run_scoped3A_65 : memref<!tpu.dma_semaphore, #tpu.memory_space<semaphore_mem>>)
        %dma_wait3A_70 = arith.constant 0 : i32
        %dma_wait3A_71 = tpu.memref_slice %arg11[%add3A_58, %dma_wait3A_70] : memref<8192x128xf32, #tpu.memory_space<hbm>> -> memref<128x128xf32, #tpu.memory_space<hbm>>
        %dma_wait3A_72 = arith.constant 0 : i32
        %dma_wait3A_73 = tpu.memref_slice %arg11[%add3A_58, %dma_wait3A_72] : memref<8192x128xf32, #tpu.memory_space<hbm>> -> memref<128x128xf32, #tpu.memory_space<hbm>>
        tpu.wait_dma2 semaphore(%run_scoped3A_65 : memref<!tpu.dma_semaphore, #tpu.memory_space<semaphore_mem>>) src(%arg15 : memref<128x128xf32, #tpu.memory_space<vmem>>) dst(%dma_wait3A_73 : memref<128x128xf32, #tpu.memory_space<hbm>>)
        tpu.yield
      }) : () -> ()
    }
    %scan3A_48 = arith.constant 2 : i32
    return
  }
}

#map = affine_map<(d0, d1) -> (0, 0)>
module attributes {stable_mosaic.version = 14 : i64} {
  func.func @_deg_kernel(%arg0: i32, %arg1: i32, %arg2: memref<2560x128xi32, #tpu.memory_space<hbm>>, %arg3: memref<10240x128xf32, #tpu.memory_space<hbm>>, %arg4: memref<128x128xf32, #tpu.memory_space<hbm>>, %arg5: memref<20480x128xf32, #tpu.memory_space<hbm>>, %arg6: memref<128x128xf32, #tpu.memory_space<vmem>>, %arg7: memref<80x128xi32, #tpu.memory_space<vmem>>, %arg8: memref<10240x128xf32, #tpu.memory_space<vmem_shared>>) attributes {dimension_semantics = [#tpu.dimension_semantics<core_parallel>, #tpu.dimension_semantics<subcore_parallel>], iteration_bounds = array<i64: 2, 16>, scalar_prefetch = 0 : i64, scratch_operands = 3 : i64, tpu.core_type = #tpu.core_type<sc_vector_subcore>, window_params = [{transform_indices = #map}, {transform_indices = #map}, {transform_indices = #map}, {transform_indices = #map}]} {
    %mul3A = arith.constant 2 : i32
    %mul3A_0 = arith.muli %arg1, %mul3A : i32
    %add3A = arith.addi %mul3A_0, %arg0 : i32
    %mul3A_1 = arith.constant 640 : i32
    %mul3A_2 = arith.muli %arg1, %mul3A_1 : i32
    %mul3A_3 = arith.constant 640 : i32
    %mul3A_4 = arith.muli %arg1, %mul3A_3 : i32
    "tpu.region"() ({
      %run_scoped3A = tpu.sem_alloc : memref<!tpu.dma_semaphore, #tpu.memory_space<semaphore_mem>>
      %dma_start3A = arith.constant 0 : i32
      %dma_start3A_19 = tpu.memref_slice %arg8[%mul3A_4, %dma_start3A] : memref<10240x128xf32, #tpu.memory_space<vmem_shared>> -> memref<640x128xf32, #tpu.memory_space<vmem_shared>>
      %dma_start3A_20 = arith.constant 0 : i32
      %dma_start3A_21 = tpu.memref_slice %arg3[%mul3A_2, %dma_start3A_20] : memref<10240x128xf32, #tpu.memory_space<hbm>> -> memref<640x128xf32, #tpu.memory_space<hbm>>
      tpu.enqueue_dma source(%dma_start3A_21 : memref<640x128xf32, #tpu.memory_space<hbm>>) target(%dma_start3A_19 : memref<640x128xf32, #tpu.memory_space<vmem_shared>>) target_semaphore(%run_scoped3A : memref<!tpu.dma_semaphore, #tpu.memory_space<semaphore_mem>>)
      %dma_wait3A = arith.constant 0 : i32
      %dma_wait3A_22 = tpu.memref_slice %arg8[%mul3A_4, %dma_wait3A] : memref<10240x128xf32, #tpu.memory_space<vmem_shared>> -> memref<640x128xf32, #tpu.memory_space<vmem_shared>>
      %dma_wait3A_23 = arith.constant 0 : i32
      %dma_wait3A_24 = tpu.memref_slice %arg3[%mul3A_2, %dma_wait3A_23] : memref<10240x128xf32, #tpu.memory_space<hbm>> -> memref<640x128xf32, #tpu.memory_space<hbm>>
      tpu.wait_dma2 semaphore(%run_scoped3A : memref<!tpu.dma_semaphore, #tpu.memory_space<semaphore_mem>>) src(%dma_wait3A_24 : memref<640x128xf32, #tpu.memory_space<hbm>>) dst(%dma_wait3A_22 : memref<640x128xf32, #tpu.memory_space<vmem_shared>>)
      tpu.yield
    }) : () -> ()
    "tpu.region"() ({
      %run_scoped3A = tpu.sem_alloc : memref<!tpu.dma_semaphore, #tpu.memory_space<semaphore_mem>>
      tpu.enqueue_dma source(%arg4 : memref<128x128xf32, #tpu.memory_space<hbm>>) target(%arg6 : memref<128x128xf32, #tpu.memory_space<vmem>>) target_semaphore(%run_scoped3A : memref<!tpu.dma_semaphore, #tpu.memory_space<semaphore_mem>>)
      tpu.wait_dma2 semaphore(%run_scoped3A : memref<!tpu.dma_semaphore, #tpu.memory_space<semaphore_mem>>) src(%arg4 : memref<128x128xf32, #tpu.memory_space<hbm>>) dst(%arg6 : memref<128x128xf32, #tpu.memory_space<vmem>>)
      tpu.yield
    }) : () -> ()
    %mul3A_5 = arith.constant 80 : i32
    %mul3A_6 = arith.muli %add3A, %mul3A_5 : i32
    "tpu.region"() ({
      %run_scoped3A = tpu.sem_alloc : memref<!tpu.dma_semaphore, #tpu.memory_space<semaphore_mem>>
      %dma_start3A = arith.constant 0 : i32
      %dma_start3A_19 = tpu.memref_slice %arg2[%mul3A_6, %dma_start3A] : memref<2560x128xi32, #tpu.memory_space<hbm>> -> memref<80x128xi32, #tpu.memory_space<hbm>>
      %dma_start3A_20 = arith.constant 0 : i32
      %dma_start3A_21 = tpu.memref_slice %arg2[%mul3A_6, %dma_start3A_20] : memref<2560x128xi32, #tpu.memory_space<hbm>> -> memref<80x128xi32, #tpu.memory_space<hbm>>
      tpu.enqueue_dma source(%dma_start3A_21 : memref<80x128xi32, #tpu.memory_space<hbm>>) target(%arg7 : memref<80x128xi32, #tpu.memory_space<vmem>>) target_semaphore(%run_scoped3A : memref<!tpu.dma_semaphore, #tpu.memory_space<semaphore_mem>>)
      %dma_wait3A = arith.constant 0 : i32
      %dma_wait3A_22 = tpu.memref_slice %arg2[%mul3A_6, %dma_wait3A] : memref<2560x128xi32, #tpu.memory_space<hbm>> -> memref<80x128xi32, #tpu.memory_space<hbm>>
      %dma_wait3A_23 = arith.constant 0 : i32
      %dma_wait3A_24 = tpu.memref_slice %arg2[%mul3A_6, %dma_wait3A_23] : memref<2560x128xi32, #tpu.memory_space<hbm>> -> memref<80x128xi32, #tpu.memory_space<hbm>>
      tpu.wait_dma2 semaphore(%run_scoped3A : memref<!tpu.dma_semaphore, #tpu.memory_space<semaphore_mem>>) src(%dma_wait3A_24 : memref<80x128xi32, #tpu.memory_space<hbm>>) dst(%arg7 : memref<80x128xi32, #tpu.memory_space<vmem>>)
      tpu.yield
    }) : () -> ()
    %barrier3A = arith.constant 0 : index
    tpu.barrier barrier_id(%barrier3A)
    %scan3A = arith.constant 0 : i32
    %scan3A_7 = arith.constant 80 : i32
    %scan3A_8 = arith.addi %scan3A, %scan3A_7 : i32
    %scan3A_9 = arith.constant 1 : i32
    scf.for %scan3A_19 = %scan3A to %scan3A_8 step %scan3A_9  : i32 {
      %mul3A_20 = arith.constant 1 : i32
      %mul3A_21 = arith.muli %scan3A_19, %mul3A_20 : i32
      %add3A_22 = arith.constant 0 : i32
      %add3A_23 = arith.addi %add3A_22, %mul3A_21 : i32
      "tpu.region"() ({
        %run_scoped3A = tpu.sem_alloc : memref<!tpu.dma_semaphore, #tpu.memory_space<semaphore_mem>>
        %dma_start3A = arith.constant 0 : i32
        %dma_start3A_24 = tpu.memref_slice %arg7[%add3A_23, %dma_start3A] : memref<80x128xi32, #tpu.memory_space<vmem>> -> memref<1x128xi32, #tpu.memory_space<vmem>>
        %dma_start3A_25 = tpu.memref_squeeze %dma_start3A_24 : memref<1x128xi32, #tpu.memory_space<vmem>> -> memref<128xi32, #tpu.memory_space<vmem>>
        %dma_start3A_26 = arith.constant 0 : i32
        %dma_start3A_27 = arith.constant 0 : i32
        %dma_start3A_28 = tpu.memref_slice %arg8[%dma_start3A_26, %dma_start3A_27] : memref<10240x128xf32, #tpu.memory_space<vmem_shared>> -> memref<10240x128xf32, #tpu.memory_space<vmem_shared>>
        tpu.enqueue_indirect_dma source(%arg6 : memref<128x128xf32, #tpu.memory_space<vmem>>) target(%dma_start3A_28 : memref<10240x128xf32, #tpu.memory_space<vmem_shared>>) offsets(%dma_start3A_25 : memref<128xi32, #tpu.memory_space<vmem>>) semaphore(%run_scoped3A : memref<!tpu.dma_semaphore, #tpu.memory_space<semaphore_mem>>) {add = true}
        %dma_wait3A = arith.constant 0 : i32
        %dma_wait3A_29 = tpu.memref_slice %arg7[%add3A_23, %dma_wait3A] : memref<80x128xi32, #tpu.memory_space<vmem>> -> memref<1x128xi32, #tpu.memory_space<vmem>>
        %dma_wait3A_30 = tpu.memref_squeeze %dma_wait3A_29 : memref<1x128xi32, #tpu.memory_space<vmem>> -> memref<128xi32, #tpu.memory_space<vmem>>
        %dma_wait3A_31 = arith.constant 0 : i32
        %dma_wait3A_32 = arith.constant 0 : i32
        %dma_wait3A_33 = tpu.memref_slice %arg8[%dma_wait3A_31, %dma_wait3A_32] : memref<10240x128xf32, #tpu.memory_space<vmem_shared>> -> memref<10240x128xf32, #tpu.memory_space<vmem_shared>>
        tpu.wait_indirect_dma semaphore(%run_scoped3A : memref<!tpu.dma_semaphore, #tpu.memory_space<semaphore_mem>>) src(%arg6 : memref<128x128xf32, #tpu.memory_space<vmem>>) dst(%dma_wait3A_33 : memref<10240x128xf32, #tpu.memory_space<vmem_shared>>)
        tpu.yield
      }) : () -> ()
    }
    %scan3A_10 = arith.constant 80 : i32
    %barrier3A_11 = arith.constant 0 : index
    tpu.barrier barrier_id(%barrier3A_11)
    %mul3A_12 = arith.constant 640 : i32
    %mul3A_13 = arith.muli %arg1, %mul3A_12 : i32
    %mul3A_14 = arith.constant 10240 : i32
    %mul3A_15 = arith.muli %arg0, %mul3A_14 : i32
    %mul3A_16 = arith.constant 640 : i32
    %mul3A_17 = arith.muli %arg1, %mul3A_16 : i32
    %add3A_18 = arith.addi %mul3A_15, %mul3A_17 : i32
    "tpu.region"() ({
      %run_scoped3A = tpu.sem_alloc : memref<!tpu.dma_semaphore, #tpu.memory_space<semaphore_mem>>
      %dma_start3A = arith.constant 0 : i32
      %dma_start3A_19 = tpu.memref_slice %arg5[%add3A_18, %dma_start3A] : memref<20480x128xf32, #tpu.memory_space<hbm>> -> memref<640x128xf32, #tpu.memory_space<hbm>>
      %dma_start3A_20 = arith.constant 0 : i32
      %dma_start3A_21 = tpu.memref_slice %arg8[%mul3A_13, %dma_start3A_20] : memref<10240x128xf32, #tpu.memory_space<vmem_shared>> -> memref<640x128xf32, #tpu.memory_space<vmem_shared>>
      tpu.enqueue_dma source(%dma_start3A_21 : memref<640x128xf32, #tpu.memory_space<vmem_shared>>) target(%dma_start3A_19 : memref<640x128xf32, #tpu.memory_space<hbm>>) target_semaphore(%run_scoped3A : memref<!tpu.dma_semaphore, #tpu.memory_space<semaphore_mem>>)
      %dma_wait3A = arith.constant 0 : i32
      %dma_wait3A_22 = tpu.memref_slice %arg5[%add3A_18, %dma_wait3A] : memref<20480x128xf32, #tpu.memory_space<hbm>> -> memref<640x128xf32, #tpu.memory_space<hbm>>
      %dma_wait3A_23 = arith.constant 0 : i32
      %dma_wait3A_24 = tpu.memref_slice %arg8[%mul3A_13, %dma_wait3A_23] : memref<10240x128xf32, #tpu.memory_space<vmem_shared>> -> memref<640x128xf32, #tpu.memory_space<vmem_shared>>
      tpu.wait_dma2 semaphore(%run_scoped3A : memref<!tpu.dma_semaphore, #tpu.memory_space<semaphore_mem>>) src(%dma_wait3A_24 : memref<640x128xf32, #tpu.memory_space<vmem_shared>>) dst(%dma_wait3A_22 : memref<640x128xf32, #tpu.memory_space<hbm>>)
      tpu.yield
    }) : () -> ()
    return
  }
}

#map = affine_map<(d0, d1) -> (0, 0)>
#map1 = affine_map<(d0, d1) -> (0)>
module attributes {stable_mosaic.version = 14 : i64} {
  func.func @_segsum_kernel(%arg0: i32, %arg1: i32, %arg2: memref<10240x128xf32, #tpu.memory_space<hbm>>, %arg3: memref<327680xi32, #tpu.memory_space<hbm>>, %arg4: memref<2560x128xi32, #tpu.memory_space<hbm>>, %arg5: memref<10240x128xf32, #tpu.memory_space<hbm>>, %arg6: memref<20480x128xf32, #tpu.memory_space<hbm>>, %arg7: memref<128xi32, #tpu.memory_space<vmem>>, %arg8: memref<128xi32, #tpu.memory_space<vmem>>, %arg9: memref<80x128xi32, #tpu.memory_space<vmem>>, %arg10: memref<128x128xf32, #tpu.memory_space<vmem>>, %arg11: memref<128x128xf32, #tpu.memory_space<vmem>>, %arg12: memref<10240x128xf32, #tpu.memory_space<vmem_shared>>, %arg13: memref<!tpu.dma_semaphore, #tpu.memory_space<semaphore_mem>>, %arg14: memref<!tpu.dma_semaphore, #tpu.memory_space<semaphore_mem>>) attributes {dimension_semantics = [#tpu.dimension_semantics<core_parallel>, #tpu.dimension_semantics<subcore_parallel>], iteration_bounds = array<i64: 2, 16>, scalar_prefetch = 0 : i64, scratch_operands = 8 : i64, tpu.core_type = #tpu.core_type<sc_vector_subcore>, window_params = [{transform_indices = #map}, {transform_indices = #map1}, {transform_indices = #map}, {transform_indices = #map}, {transform_indices = #map}]} {
    %mul3A = arith.constant 2 : i32
    %mul3A_0 = arith.muli %arg1, %mul3A : i32
    %add3A = arith.addi %mul3A_0, %arg0 : i32
    %mul3A_1 = arith.constant 80 : i32
    %mul3A_2 = arith.muli %add3A, %mul3A_1 : i32
    "tpu.region"() ({
      %run_scoped3A_38 = tpu.sem_alloc : memref<!tpu.dma_semaphore, #tpu.memory_space<semaphore_mem>>
      %dma_start3A_39 = arith.constant 0 : i32
      %dma_start3A_40 = tpu.memref_slice %arg4[%mul3A_2, %dma_start3A_39] : memref<2560x128xi32, #tpu.memory_space<hbm>> -> memref<80x128xi32, #tpu.memory_space<hbm>>
      %dma_start3A_41 = arith.constant 0 : i32
      %dma_start3A_42 = tpu.memref_slice %arg4[%mul3A_2, %dma_start3A_41] : memref<2560x128xi32, #tpu.memory_space<hbm>> -> memref<80x128xi32, #tpu.memory_space<hbm>>
      tpu.enqueue_dma source(%dma_start3A_42 : memref<80x128xi32, #tpu.memory_space<hbm>>) target(%arg9 : memref<80x128xi32, #tpu.memory_space<vmem>>) target_semaphore(%run_scoped3A_38 : memref<!tpu.dma_semaphore, #tpu.memory_space<semaphore_mem>>)
      %dma_wait3A_43 = arith.constant 0 : i32
      %dma_wait3A_44 = tpu.memref_slice %arg4[%mul3A_2, %dma_wait3A_43] : memref<2560x128xi32, #tpu.memory_space<hbm>> -> memref<80x128xi32, #tpu.memory_space<hbm>>
      %dma_wait3A_45 = arith.constant 0 : i32
      %dma_wait3A_46 = tpu.memref_slice %arg4[%mul3A_2, %dma_wait3A_45] : memref<2560x128xi32, #tpu.memory_space<hbm>> -> memref<80x128xi32, #tpu.memory_space<hbm>>
      tpu.wait_dma2 semaphore(%run_scoped3A_38 : memref<!tpu.dma_semaphore, #tpu.memory_space<semaphore_mem>>) src(%dma_wait3A_46 : memref<80x128xi32, #tpu.memory_space<hbm>>) dst(%arg9 : memref<80x128xi32, #tpu.memory_space<vmem>>)
      tpu.yield
    }) : () -> ()
    %mul3A_3 = arith.constant 640 : i32
    %mul3A_4 = arith.muli %arg1, %mul3A_3 : i32
    %mul3A_5 = arith.constant 640 : i32
    %mul3A_6 = arith.muli %arg1, %mul3A_5 : i32
    "tpu.region"() ({
      %run_scoped3A_38 = tpu.sem_alloc : memref<!tpu.dma_semaphore, #tpu.memory_space<semaphore_mem>>
      %dma_start3A_39 = arith.constant 0 : i32
      %dma_start3A_40 = tpu.memref_slice %arg12[%mul3A_6, %dma_start3A_39] : memref<10240x128xf32, #tpu.memory_space<vmem_shared>> -> memref<640x128xf32, #tpu.memory_space<vmem_shared>>
      %dma_start3A_41 = arith.constant 0 : i32
      %dma_start3A_42 = tpu.memref_slice %arg5[%mul3A_4, %dma_start3A_41] : memref<10240x128xf32, #tpu.memory_space<hbm>> -> memref<640x128xf32, #tpu.memory_space<hbm>>
      tpu.enqueue_dma source(%dma_start3A_42 : memref<640x128xf32, #tpu.memory_space<hbm>>) target(%dma_start3A_40 : memref<640x128xf32, #tpu.memory_space<vmem_shared>>) target_semaphore(%run_scoped3A_38 : memref<!tpu.dma_semaphore, #tpu.memory_space<semaphore_mem>>)
      %dma_wait3A_43 = arith.constant 0 : i32
      %dma_wait3A_44 = tpu.memref_slice %arg12[%mul3A_6, %dma_wait3A_43] : memref<10240x128xf32, #tpu.memory_space<vmem_shared>> -> memref<640x128xf32, #tpu.memory_space<vmem_shared>>
      %dma_wait3A_45 = arith.constant 0 : i32
      %dma_wait3A_46 = tpu.memref_slice %arg5[%mul3A_4, %dma_wait3A_45] : memref<10240x128xf32, #tpu.memory_space<hbm>> -> memref<640x128xf32, #tpu.memory_space<hbm>>
      tpu.wait_dma2 semaphore(%run_scoped3A_38 : memref<!tpu.dma_semaphore, #tpu.memory_space<semaphore_mem>>) src(%dma_wait3A_46 : memref<640x128xf32, #tpu.memory_space<hbm>>) dst(%dma_wait3A_44 : memref<640x128xf32, #tpu.memory_space<vmem_shared>>)
      tpu.yield
    }) : () -> ()
    %barrier3A = arith.constant 0 : index
    tpu.barrier barrier_id(%barrier3A)
    %mul3A_7 = arith.constant 10240 : i32
    %mul3A_8 = arith.muli %add3A, %mul3A_7 : i32
    %add3A_9 = arith.constant 0 : i32
    %add3A_10 = arith.addi %mul3A_8, %add3A_9 : i32
    "tpu.region"() ({
      %run_scoped3A_38 = tpu.sem_alloc : memref<!tpu.dma_semaphore, #tpu.memory_space<semaphore_mem>>
      %dma_start3A_39 = tpu.memref_slice %arg3[%add3A_10] : memref<327680xi32, #tpu.memory_space<hbm>> -> memref<128xi32, #tpu.memory_space<hbm>>
      %dma_start3A_40 = tpu.memref_slice %arg3[%add3A_10] : memref<327680xi32, #tpu.memory_space<hbm>> -> memref<128xi32, #tpu.memory_space<hbm>>
      tpu.enqueue_dma source(%dma_start3A_40 : memref<128xi32, #tpu.memory_space<hbm>>) target(%arg7 : memref<128xi32, #tpu.memory_space<vmem>>) target_semaphore(%run_scoped3A_38 : memref<!tpu.dma_semaphore, #tpu.memory_space<semaphore_mem>>)
      %dma_wait3A_41 = tpu.memref_slice %arg3[%add3A_10] : memref<327680xi32, #tpu.memory_space<hbm>> -> memref<128xi32, #tpu.memory_space<hbm>>
      %dma_wait3A_42 = tpu.memref_slice %arg3[%add3A_10] : memref<327680xi32, #tpu.memory_space<hbm>> -> memref<128xi32, #tpu.memory_space<hbm>>
      tpu.wait_dma2 semaphore(%run_scoped3A_38 : memref<!tpu.dma_semaphore, #tpu.memory_space<semaphore_mem>>) src(%dma_wait3A_42 : memref<128xi32, #tpu.memory_space<hbm>>) dst(%arg7 : memref<128xi32, #tpu.memory_space<vmem>>)
      tpu.yield
    }) : () -> ()
    %dma_start3A = arith.constant 0 : i32
    %dma_start3A_11 = arith.constant 0 : i32
    %dma_start3A_12 = tpu.memref_slice %arg2[%dma_start3A, %dma_start3A_11] : memref<10240x128xf32, #tpu.memory_space<hbm>> -> memref<10240x128xf32, #tpu.memory_space<hbm>>
    tpu.enqueue_indirect_dma source(%dma_start3A_12 : memref<10240x128xf32, #tpu.memory_space<hbm>>) target(%arg10 : memref<128x128xf32, #tpu.memory_space<vmem>>) offsets(%arg7 : memref<128xi32, #tpu.memory_space<vmem>>) semaphore(%arg13 : memref<!tpu.dma_semaphore, #tpu.memory_space<semaphore_mem>>)
    %mul3A_13 = arith.constant 10240 : i32
    %mul3A_14 = arith.muli %add3A, %mul3A_13 : i32
    %add3A_15 = arith.constant 128 : i32
    %add3A_16 = arith.addi %mul3A_14, %add3A_15 : i32
    "tpu.region"() ({
      %run_scoped3A_38 = tpu.sem_alloc : memref<!tpu.dma_semaphore, #tpu.memory_space<semaphore_mem>>
      %dma_start3A_39 = tpu.memref_slice %arg3[%add3A_16] : memref<327680xi32, #tpu.memory_space<hbm>> -> memref<128xi32, #tpu.memory_space<hbm>>
      %dma_start3A_40 = tpu.memref_slice %arg3[%add3A_16] : memref<327680xi32, #tpu.memory_space<hbm>> -> memref<128xi32, #tpu.memory_space<hbm>>
      tpu.enqueue_dma source(%dma_start3A_40 : memref<128xi32, #tpu.memory_space<hbm>>) target(%arg8 : memref<128xi32, #tpu.memory_space<vmem>>) target_semaphore(%run_scoped3A_38 : memref<!tpu.dma_semaphore, #tpu.memory_space<semaphore_mem>>)
      %dma_wait3A_41 = tpu.memref_slice %arg3[%add3A_16] : memref<327680xi32, #tpu.memory_space<hbm>> -> memref<128xi32, #tpu.memory_space<hbm>>
      %dma_wait3A_42 = tpu.memref_slice %arg3[%add3A_16] : memref<327680xi32, #tpu.memory_space<hbm>> -> memref<128xi32, #tpu.memory_space<hbm>>
      tpu.wait_dma2 semaphore(%run_scoped3A_38 : memref<!tpu.dma_semaphore, #tpu.memory_space<semaphore_mem>>) src(%dma_wait3A_42 : memref<128xi32, #tpu.memory_space<hbm>>) dst(%arg8 : memref<128xi32, #tpu.memory_space<vmem>>)
      tpu.yield
    }) : () -> ()
    %dma_start3A_17 = arith.constant 0 : i32
    %dma_start3A_18 = arith.constant 0 : i32
    %dma_start3A_19 = tpu.memref_slice %arg2[%dma_start3A_17, %dma_start3A_18] : memref<10240x128xf32, #tpu.memory_space<hbm>> -> memref<10240x128xf32, #tpu.memory_space<hbm>>
    tpu.enqueue_indirect_dma source(%dma_start3A_19 : memref<10240x128xf32, #tpu.memory_space<hbm>>) target(%arg11 : memref<128x128xf32, #tpu.memory_space<vmem>>) offsets(%arg8 : memref<128xi32, #tpu.memory_space<vmem>>) semaphore(%arg14 : memref<!tpu.dma_semaphore, #tpu.memory_space<semaphore_mem>>)
    %scan3A = arith.constant 0 : i32
    %scan3A_20 = arith.constant 39 : i32
    %scan3A_21 = arith.addi %scan3A, %scan3A_20 : i32
    %scan3A_22 = arith.constant 1 : i32
    scf.for %scan3A_38 = %scan3A to %scan3A_21 step %scan3A_22  : i32 {
      %mul3A_39 = arith.constant 2 : i32
      %mul3A_40 = arith.muli %scan3A_38, %mul3A_39 : i32
      %add3A_41 = arith.constant 0 : i32
      %add3A_42 = arith.addi %add3A_41, %mul3A_40 : i32
      %dma_wait3A_43 = arith.constant 0 : i32
      %dma_wait3A_44 = arith.constant 0 : i32
      %dma_wait3A_45 = tpu.memref_slice %arg2[%dma_wait3A_43, %dma_wait3A_44] : memref<10240x128xf32, #tpu.memory_space<hbm>> -> memref<10240x128xf32, #tpu.memory_space<hbm>>
      tpu.wait_indirect_dma semaphore(%arg13 : memref<!tpu.dma_semaphore, #tpu.memory_space<semaphore_mem>>) src(%dma_wait3A_45 : memref<10240x128xf32, #tpu.memory_space<hbm>>) dst(%arg10 : memref<128x128xf32, #tpu.memory_space<vmem>>)
      "tpu.region"() ({
        %run_scoped3A_73 = tpu.sem_alloc : memref<!tpu.dma_semaphore, #tpu.memory_space<semaphore_mem>>
        %dma_start3A_74 = arith.constant 0 : i32
        %dma_start3A_75 = tpu.memref_slice %arg9[%add3A_42, %dma_start3A_74] : memref<80x128xi32, #tpu.memory_space<vmem>> -> memref<1x128xi32, #tpu.memory_space<vmem>>
        %dma_start3A_76 = tpu.memref_squeeze %dma_start3A_75 : memref<1x128xi32, #tpu.memory_space<vmem>> -> memref<128xi32, #tpu.memory_space<vmem>>
        %dma_start3A_77 = arith.constant 0 : i32
        %dma_start3A_78 = arith.constant 0 : i32
        %dma_start3A_79 = tpu.memref_slice %arg12[%dma_start3A_77, %dma_start3A_78] : memref<10240x128xf32, #tpu.memory_space<vmem_shared>> -> memref<10240x128xf32, #tpu.memory_space<vmem_shared>>
        tpu.enqueue_indirect_dma source(%arg10 : memref<128x128xf32, #tpu.memory_space<vmem>>) target(%dma_start3A_79 : memref<10240x128xf32, #tpu.memory_space<vmem_shared>>) offsets(%dma_start3A_76 : memref<128xi32, #tpu.memory_space<vmem>>) semaphore(%run_scoped3A_73 : memref<!tpu.dma_semaphore, #tpu.memory_space<semaphore_mem>>) {add = true}
        %dma_wait3A_80 = arith.constant 0 : i32
        %dma_wait3A_81 = tpu.memref_slice %arg9[%add3A_42, %dma_wait3A_80] : memref<80x128xi32, #tpu.memory_space<vmem>> -> memref<1x128xi32, #tpu.memory_space<vmem>>
        %dma_wait3A_82 = tpu.memref_squeeze %dma_wait3A_81 : memref<1x128xi32, #tpu.memory_space<vmem>> -> memref<128xi32, #tpu.memory_space<vmem>>
        %dma_wait3A_83 = arith.constant 0 : i32
        %dma_wait3A_84 = arith.constant 0 : i32
        %dma_wait3A_85 = tpu.memref_slice %arg12[%dma_wait3A_83, %dma_wait3A_84] : memref<10240x128xf32, #tpu.memory_space<vmem_shared>> -> memref<10240x128xf32, #tpu.memory_space<vmem_shared>>
        tpu.wait_indirect_dma semaphore(%run_scoped3A_73 : memref<!tpu.dma_semaphore, #tpu.memory_space<semaphore_mem>>) src(%arg10 : memref<128x128xf32, #tpu.memory_space<vmem>>) dst(%dma_wait3A_85 : memref<10240x128xf32, #tpu.memory_space<vmem_shared>>)
        tpu.yield
      }) : () -> ()
      %add3A_46 = arith.constant 2 : i32
      %add3A_47 = arith.addi %add3A_42, %add3A_46 : i32
      %mul3A_48 = arith.constant 10240 : i32
      %mul3A_49 = arith.muli %add3A, %mul3A_48 : i32
      %mul3A_50 = arith.constant 128 : i32
      %mul3A_51 = arith.muli %add3A_47, %mul3A_50 : i32
      %add3A_52 = arith.addi %mul3A_49, %mul3A_51 : i32
      "tpu.region"() ({
        %run_scoped3A_73 = tpu.sem_alloc : memref<!tpu.dma_semaphore, #tpu.memory_space<semaphore_mem>>
        %dma_start3A_74 = tpu.memref_slice %arg3[%add3A_52] : memref<327680xi32, #tpu.memory_space<hbm>> -> memref<128xi32, #tpu.memory_space<hbm>>
        %dma_start3A_75 = tpu.memref_slice %arg3[%add3A_52] : memref<327680xi32, #tpu.memory_space<hbm>> -> memref<128xi32, #tpu.memory_space<hbm>>
        tpu.enqueue_dma source(%dma_start3A_75 : memref<128xi32, #tpu.memory_space<hbm>>) target(%arg7 : memref<128xi32, #tpu.memory_space<vmem>>) target_semaphore(%run_scoped3A_73 : memref<!tpu.dma_semaphore, #tpu.memory_space<semaphore_mem>>)
        %dma_wait3A_76 = tpu.memref_slice %arg3[%add3A_52] : memref<327680xi32, #tpu.memory_space<hbm>> -> memref<128xi32, #tpu.memory_space<hbm>>
        %dma_wait3A_77 = tpu.memref_slice %arg3[%add3A_52] : memref<327680xi32, #tpu.memory_space<hbm>> -> memref<128xi32, #tpu.memory_space<hbm>>
        tpu.wait_dma2 semaphore(%run_scoped3A_73 : memref<!tpu.dma_semaphore, #tpu.memory_space<semaphore_mem>>) src(%dma_wait3A_77 : memref<128xi32, #tpu.memory_space<hbm>>) dst(%arg7 : memref<128xi32, #tpu.memory_space<vmem>>)
        tpu.yield
      }) : () -> ()
      %dma_start3A_53 = arith.constant 0 : i32
      %dma_start3A_54 = arith.constant 0 : i32
      %dma_start3A_55 = tpu.memref_slice %arg2[%dma_start3A_53, %dma_start3A_54] : memref<10240x128xf32, #tpu.memory_space<hbm>> -> memref<10240x128xf32, #tpu.memory_space<hbm>>
      tpu.enqueue_indirect_dma source(%dma_start3A_55 : memref<10240x128xf32, #tpu.memory_space<hbm>>) target(%arg10 : memref<128x128xf32, #tpu.memory_space<vmem>>) offsets(%arg7 : memref<128xi32, #tpu.memory_space<vmem>>) semaphore(%arg13 : memref<!tpu.dma_semaphore, #tpu.memory_space<semaphore_mem>>)
      %add3A_56 = arith.constant 1 : i32
      %add3A_57 = arith.addi %add3A_42, %add3A_56 : i32
      %dma_wait3A_58 = arith.constant 0 : i32
      %dma_wait3A_59 = arith.constant 0 : i32
      %dma_wait3A_60 = tpu.memref_slice %arg2[%dma_wait3A_58, %dma_wait3A_59] : memref<10240x128xf32, #tpu.memory_space<hbm>> -> memref<10240x128xf32, #tpu.memory_space<hbm>>
      tpu.wait_indirect_dma semaphore(%arg14 : memref<!tpu.dma_semaphore, #tpu.memory_space<semaphore_mem>>) src(%dma_wait3A_60 : memref<10240x128xf32, #tpu.memory_space<hbm>>) dst(%arg11 : memref<128x128xf32, #tpu.memory_space<vmem>>)
      %add3A_61 = arith.constant 1 : i32
      %add3A_62 = arith.addi %add3A_42, %add3A_61 : i32
      "tpu.region"() ({
        %run_scoped3A_73 = tpu.sem_alloc : memref<!tpu.dma_semaphore, #tpu.memory_space<semaphore_mem>>
        %dma_start3A_74 = arith.constant 0 : i32
        %dma_start3A_75 = tpu.memref_slice %arg9[%add3A_62, %dma_start3A_74] : memref<80x128xi32, #tpu.memory_space<vmem>> -> memref<1x128xi32, #tpu.memory_space<vmem>>
        %dma_start3A_76 = tpu.memref_squeeze %dma_start3A_75 : memref<1x128xi32, #tpu.memory_space<vmem>> -> memref<128xi32, #tpu.memory_space<vmem>>
        %dma_start3A_77 = arith.constant 0 : i32
        %dma_start3A_78 = arith.constant 0 : i32
        %dma_start3A_79 = tpu.memref_slice %arg12[%dma_start3A_77, %dma_start3A_78] : memref<10240x128xf32, #tpu.memory_space<vmem_shared>> -> memref<10240x128xf32, #tpu.memory_space<vmem_shared>>
        tpu.enqueue_indirect_dma source(%arg11 : memref<128x128xf32, #tpu.memory_space<vmem>>) target(%dma_start3A_79 : memref<10240x128xf32, #tpu.memory_space<vmem_shared>>) offsets(%dma_start3A_76 : memref<128xi32, #tpu.memory_space<vmem>>) semaphore(%run_scoped3A_73 : memref<!tpu.dma_semaphore, #tpu.memory_space<semaphore_mem>>) {add = true}
        %dma_wait3A_80 = arith.constant 0 : i32
        %dma_wait3A_81 = tpu.memref_slice %arg9[%add3A_62, %dma_wait3A_80] : memref<80x128xi32, #tpu.memory_space<vmem>> -> memref<1x128xi32, #tpu.memory_space<vmem>>
        %dma_wait3A_82 = tpu.memref_squeeze %dma_wait3A_81 : memref<1x128xi32, #tpu.memory_space<vmem>> -> memref<128xi32, #tpu.memory_space<vmem>>
        %dma_wait3A_83 = arith.constant 0 : i32
        %dma_wait3A_84 = arith.constant 0 : i32
        %dma_wait3A_85 = tpu.memref_slice %arg12[%dma_wait3A_83, %dma_wait3A_84] : memref<10240x128xf32, #tpu.memory_space<vmem_shared>> -> memref<10240x128xf32, #tpu.memory_space<vmem_shared>>
        tpu.wait_indirect_dma semaphore(%run_scoped3A_73 : memref<!tpu.dma_semaphore, #tpu.memory_space<semaphore_mem>>) src(%arg11 : memref<128x128xf32, #tpu.memory_space<vmem>>) dst(%dma_wait3A_85 : memref<10240x128xf32, #tpu.memory_space<vmem_shared>>)
        tpu.yield
      }) : () -> ()
      %add3A_63 = arith.constant 3 : i32
      %add3A_64 = arith.addi %add3A_42, %add3A_63 : i32
      %mul3A_65 = arith.constant 10240 : i32
      %mul3A_66 = arith.muli %add3A, %mul3A_65 : i32
      %mul3A_67 = arith.constant 128 : i32
      %mul3A_68 = arith.muli %add3A_64, %mul3A_67 : i32
      %add3A_69 = arith.addi %mul3A_66, %mul3A_68 : i32
      "tpu.region"() ({
        %run_scoped3A_73 = tpu.sem_alloc : memref<!tpu.dma_semaphore, #tpu.memory_space<semaphore_mem>>
        %dma_start3A_74 = tpu.memref_slice %arg3[%add3A_69] : memref<327680xi32, #tpu.memory_space<hbm>> -> memref<128xi32, #tpu.memory_space<hbm>>
        %dma_start3A_75 = tpu.memref_slice %arg3[%add3A_69] : memref<327680xi32, #tpu.memory_space<hbm>> -> memref<128xi32, #tpu.memory_space<hbm>>
        tpu.enqueue_dma source(%dma_start3A_75 : memref<128xi32, #tpu.memory_space<hbm>>) target(%arg8 : memref<128xi32, #tpu.memory_space<vmem>>) target_semaphore(%run_scoped3A_73 : memref<!tpu.dma_semaphore, #tpu.memory_space<semaphore_mem>>)
        %dma_wait3A_76 = tpu.memref_slice %arg3[%add3A_69] : memref<327680xi32, #tpu.memory_space<hbm>> -> memref<128xi32, #tpu.memory_space<hbm>>
        %dma_wait3A_77 = tpu.memref_slice %arg3[%add3A_69] : memref<327680xi32, #tpu.memory_space<hbm>> -> memref<128xi32, #tpu.memory_space<hbm>>
        tpu.wait_dma2 semaphore(%run_scoped3A_73 : memref<!tpu.dma_semaphore, #tpu.memory_space<semaphore_mem>>) src(%dma_wait3A_77 : memref<128xi32, #tpu.memory_space<hbm>>) dst(%arg8 : memref<128xi32, #tpu.memory_space<vmem>>)
        tpu.yield
      }) : () -> ()
      %dma_start3A_70 = arith.constant 0 : i32
      %dma_start3A_71 = arith.constant 0 : i32
      %dma_start3A_72 = tpu.memref_slice %arg2[%dma_start3A_70, %dma_start3A_71] : memref<10240x128xf32, #tpu.memory_space<hbm>> -> memref<10240x128xf32, #tpu.memory_space<hbm>>
      tpu.enqueue_indirect_dma source(%dma_start3A_72 : memref<10240x128xf32, #tpu.memory_space<hbm>>) target(%arg11 : memref<128x128xf32, #tpu.memory_space<vmem>>) offsets(%arg8 : memref<128xi32, #tpu.memory_space<vmem>>) semaphore(%arg14 : memref<!tpu.dma_semaphore, #tpu.memory_space<semaphore_mem>>)
    }
    %scan3A_23 = arith.constant 39 : i32
    %dma_wait3A = arith.constant 0 : i32
    %dma_wait3A_24 = arith.constant 0 : i32
    %dma_wait3A_25 = tpu.memref_slice %arg2[%dma_wait3A, %dma_wait3A_24] : memref<10240x128xf32, #tpu.memory_space<hbm>> -> memref<10240x128xf32, #tpu.memory_space<hbm>>
    tpu.wait_indirect_dma semaphore(%arg13 : memref<!tpu.dma_semaphore, #tpu.memory_space<semaphore_mem>>) src(%dma_wait3A_25 : memref<10240x128xf32, #tpu.memory_space<hbm>>) dst(%arg10 : memref<128x128xf32, #tpu.memory_space<vmem>>)
    %run_scoped3A = arith.constant 78 : i32
    "tpu.region"() ({
      %run_scoped3A_38 = tpu.sem_alloc : memref<!tpu.dma_semaphore, #tpu.memory_space<semaphore_mem>>
      %dma_start3A_39 = arith.constant 0 : i32
      %dma_start3A_40 = tpu.memref_slice %arg9[%run_scoped3A, %dma_start3A_39] : memref<80x128xi32, #tpu.memory_space<vmem>> -> memref<1x128xi32, #tpu.memory_space<vmem>>
      %dma_start3A_41 = tpu.memref_squeeze %dma_start3A_40 : memref<1x128xi32, #tpu.memory_space<vmem>> -> memref<128xi32, #tpu.memory_space<vmem>>
      %dma_start3A_42 = arith.constant 0 : i32
      %dma_start3A_43 = arith.constant 0 : i32
      %dma_start3A_44 = tpu.memref_slice %arg12[%dma_start3A_42, %dma_start3A_43] : memref<10240x128xf32, #tpu.memory_space<vmem_shared>> -> memref<10240x128xf32, #tpu.memory_space<vmem_shared>>
      tpu.enqueue_indirect_dma source(%arg10 : memref<128x128xf32, #tpu.memory_space<vmem>>) target(%dma_start3A_44 : memref<10240x128xf32, #tpu.memory_space<vmem_shared>>) offsets(%dma_start3A_41 : memref<128xi32, #tpu.memory_space<vmem>>) semaphore(%run_scoped3A_38 : memref<!tpu.dma_semaphore, #tpu.memory_space<semaphore_mem>>) {add = true}
      %dma_wait3A_45 = arith.constant 0 : i32
      %dma_wait3A_46 = tpu.memref_slice %arg9[%run_scoped3A, %dma_wait3A_45] : memref<80x128xi32, #tpu.memory_space<vmem>> -> memref<1x128xi32, #tpu.memory_space<vmem>>
      %dma_wait3A_47 = tpu.memref_squeeze %dma_wait3A_46 : memref<1x128xi32, #tpu.memory_space<vmem>> -> memref<128xi32, #tpu.memory_space<vmem>>
      %dma_wait3A_48 = arith.constant 0 : i32
      %dma_wait3A_49 = arith.constant 0 : i32
      %dma_wait3A_50 = tpu.memref_slice %arg12[%dma_wait3A_48, %dma_wait3A_49] : memref<10240x128xf32, #tpu.memory_space<vmem_shared>> -> memref<10240x128xf32, #tpu.memory_space<vmem_shared>>
      tpu.wait_indirect_dma semaphore(%run_scoped3A_38 : memref<!tpu.dma_semaphore, #tpu.memory_space<semaphore_mem>>) src(%arg10 : memref<128x128xf32, #tpu.memory_space<vmem>>) dst(%dma_wait3A_50 : memref<10240x128xf32, #tpu.memory_space<vmem_shared>>)
      tpu.yield
    }) : () -> ()
    %dma_wait3A_26 = arith.constant 0 : i32
    %dma_wait3A_27 = arith.constant 0 : i32
    %dma_wait3A_28 = tpu.memref_slice %arg2[%dma_wait3A_26, %dma_wait3A_27] : memref<10240x128xf32, #tpu.memory_space<hbm>> -> memref<10240x128xf32, #tpu.memory_space<hbm>>
    tpu.wait_indirect_dma semaphore(%arg14 : memref<!tpu.dma_semaphore, #tpu.memory_space<semaphore_mem>>) src(%dma_wait3A_28 : memref<10240x128xf32, #tpu.memory_space<hbm>>) dst(%arg11 : memref<128x128xf32, #tpu.memory_space<vmem>>)
    %run_scoped3A_29 = arith.constant 79 : i32
    "tpu.region"() ({
      %run_scoped3A_38 = tpu.sem_alloc : memref<!tpu.dma_semaphore, #tpu.memory_space<semaphore_mem>>
      %dma_start3A_39 = arith.constant 0 : i32
      %dma_start3A_40 = tpu.memref_slice %arg9[%run_scoped3A_29, %dma_start3A_39] : memref<80x128xi32, #tpu.memory_space<vmem>> -> memref<1x128xi32, #tpu.memory_space<vmem>>
      %dma_start3A_41 = tpu.memref_squeeze %dma_start3A_40 : memref<1x128xi32, #tpu.memory_space<vmem>> -> memref<128xi32, #tpu.memory_space<vmem>>
      %dma_start3A_42 = arith.constant 0 : i32
      %dma_start3A_43 = arith.constant 0 : i32
      %dma_start3A_44 = tpu.memref_slice %arg12[%dma_start3A_42, %dma_start3A_43] : memref<10240x128xf32, #tpu.memory_space<vmem_shared>> -> memref<10240x128xf32, #tpu.memory_space<vmem_shared>>
      tpu.enqueue_indirect_dma source(%arg11 : memref<128x128xf32, #tpu.memory_space<vmem>>) target(%dma_start3A_44 : memref<10240x128xf32, #tpu.memory_space<vmem_shared>>) offsets(%dma_start3A_41 : memref<128xi32, #tpu.memory_space<vmem>>) semaphore(%run_scoped3A_38 : memref<!tpu.dma_semaphore, #tpu.memory_space<semaphore_mem>>) {add = true}
      %dma_wait3A_45 = arith.constant 0 : i32
      %dma_wait3A_46 = tpu.memref_slice %arg9[%run_scoped3A_29, %dma_wait3A_45] : memref<80x128xi32, #tpu.memory_space<vmem>> -> memref<1x128xi32, #tpu.memory_space<vmem>>
      %dma_wait3A_47 = tpu.memref_squeeze %dma_wait3A_46 : memref<1x128xi32, #tpu.memory_space<vmem>> -> memref<128xi32, #tpu.memory_space<vmem>>
      %dma_wait3A_48 = arith.constant 0 : i32
      %dma_wait3A_49 = arith.constant 0 : i32
      %dma_wait3A_50 = tpu.memref_slice %arg12[%dma_wait3A_48, %dma_wait3A_49] : memref<10240x128xf32, #tpu.memory_space<vmem_shared>> -> memref<10240x128xf32, #tpu.memory_space<vmem_shared>>
      tpu.wait_indirect_dma semaphore(%run_scoped3A_38 : memref<!tpu.dma_semaphore, #tpu.memory_space<semaphore_mem>>) src(%arg11 : memref<128x128xf32, #tpu.memory_space<vmem>>) dst(%dma_wait3A_50 : memref<10240x128xf32, #tpu.memory_space<vmem_shared>>)
      tpu.yield
    }) : () -> ()
    %barrier3A_30 = arith.constant 0 : index
    tpu.barrier barrier_id(%barrier3A_30)
    %mul3A_31 = arith.constant 640 : i32
    %mul3A_32 = arith.muli %arg1, %mul3A_31 : i32
    %mul3A_33 = arith.constant 10240 : i32
    %mul3A_34 = arith.muli %arg0, %mul3A_33 : i32
    %mul3A_35 = arith.constant 640 : i32
    %mul3A_36 = arith.muli %arg1, %mul3A_35 : i32
    %add3A_37 = arith.addi %mul3A_34, %mul3A_36 : i32
    "tpu.region"() ({
      %run_scoped3A_38 = tpu.sem_alloc : memref<!tpu.dma_semaphore, #tpu.memory_space<semaphore_mem>>
      %dma_start3A_39 = arith.constant 0 : i32
      %dma_start3A_40 = tpu.memref_slice %arg6[%add3A_37, %dma_start3A_39] : memref<20480x128xf32, #tpu.memory_space<hbm>> -> memref<640x128xf32, #tpu.memory_space<hbm>>
      %dma_start3A_41 = arith.constant 0 : i32
      %dma_start3A_42 = tpu.memref_slice %arg12[%mul3A_32, %dma_start3A_41] : memref<10240x128xf32, #tpu.memory_space<vmem_shared>> -> memref<640x128xf32, #tpu.memory_space<vmem_shared>>
      tpu.enqueue_dma source(%dma_start3A_42 : memref<640x128xf32, #tpu.memory_space<vmem_shared>>) target(%dma_start3A_40 : memref<640x128xf32, #tpu.memory_space<hbm>>) target_semaphore(%run_scoped3A_38 : memref<!tpu.dma_semaphore, #tpu.memory_space<semaphore_mem>>)
      %dma_wait3A_43 = arith.constant 0 : i32
      %dma_wait3A_44 = tpu.memref_slice %arg6[%add3A_37, %dma_wait3A_43] : memref<20480x128xf32, #tpu.memory_space<hbm>> -> memref<640x128xf32, #tpu.memory_space<hbm>>
      %dma_wait3A_45 = arith.constant 0 : i32
      %dma_wait3A_46 = tpu.memref_slice %arg12[%mul3A_32, %dma_wait3A_45] : memref<10240x128xf32, #tpu.memory_space<vmem_shared>> -> memref<640x128xf32, #tpu.memory_space<vmem_shared>>
      tpu.wait_dma2 semaphore(%run_scoped3A_38 : memref<!tpu.dma_semaphore, #tpu.memory_space<semaphore_mem>>) src(%dma_wait3A_46 : memref<640x128xf32, #tpu.memory_space<vmem_shared>>) dst(%dma_wait3A_44 : memref<640x128xf32, #tpu.memory_space<hbm>>)
      tpu.yield
    }) : () -> ()
    return
  }
}

module attributes {stable_mosaic.version = 14 : i64} {
  func.func @_t2_body(%arg0: i32, %arg1: memref<1024x128xf32, #tpu.memory_space<vmem>>, %arg2: memref<1024x128xf32, #tpu.memory_space<vmem>>, %arg3: memref<1024x128xf32, #tpu.memory_space<vmem>>, %arg4: memref<128x128xf32, #tpu.memory_space<vmem>>, %arg5: memref<1x128xf32, #tpu.memory_space<vmem>>, %arg6: memref<1024x128xf32, #tpu.memory_space<vmem>>) attributes {dimension_semantics = [#tpu.dimension_semantics<arbitrary>], iteration_bounds = array<i64: 10>, scalar_prefetch = 0 : i64, scratch_operands = 0 : i64, tpu.core_type = #tpu.core_type<tc>, window_params = [{transform_indices = @transform_0, window_bounds = array<i64: 1024, 128>}, {transform_indices = @transform_1, window_bounds = array<i64: 1024, 128>}, {transform_indices = @transform_2, window_bounds = array<i64: 1024, 128>}, {pipeline_mode = #tpu.pipeline_mode<synchronous>, transform_indices = @transform_3, window_bounds = array<i64: 128, 128>}, {pipeline_mode = #tpu.pipeline_mode<synchronous>, transform_indices = @transform_4, window_bounds = array<i64: 1, 128>}, {transform_indices = @transform_5, window_bounds = array<i64: 1024, 128>}]} {
    %get3A = arith.constant 0 : index
    %get3A_0 = arith.constant 0 : index
    %get3A_1 = vector.load %arg3[%get3A, %get3A_0] : memref<1024x128xf32, #tpu.memory_space<vmem>>, vector<1024x128xf32>
    %get3A_2 = arith.constant 0 : index
    %get3A_3 = arith.constant 0 : index
    %get3A_4 = vector.load %arg1[%get3A_2, %get3A_3] : memref<1024x128xf32, #tpu.memory_space<vmem>>, vector<1024x128xf32>
    %get3A_5 = arith.constant 0 : index
    %get3A_6 = arith.constant 0 : index
    %get3A_7 = vector.load %arg2[%get3A_5, %get3A_6] : memref<1024x128xf32, #tpu.memory_space<vmem>>, vector<1024x128xf32>
    %add3A = arith.addf %get3A_4, %get3A_7 : vector<1024x128xf32>
    %mul3A = arith.mulf %add3A, %get3A_1 : vector<1024x128xf32>
    %get3A_8 = arith.constant 0 : index
    %get3A_9 = arith.constant 0 : index
    %get3A_10 = vector.load %arg4[%get3A_8, %get3A_9] : memref<128x128xf32, #tpu.memory_space<vmem>>, vector<128x128xf32>
    %dot_general3A = arith.constant dense<0.000000e+00> : vector<1024x128xf32>
    %dot_general3A_11 = tpu.matmul %mul3A, %get3A_10, %dot_general3A {dimension_numbers = #tpu.dot_dimension_numbers<[1], [0], [0], [1], [0, 0, 1, 1], [], []>, transpose_lhs_hint = false} : vector<1024x128xf32>, vector<128x128xf32>, vector<1024x128xf32> -> vector<1024x128xf32>
    %get3A_12 = arith.constant 0 : index
    %get3A_13 = arith.constant 0 : index
    %get3A_14 = vector.load %arg5[%get3A_12, %get3A_13] : memref<1x128xf32, #tpu.memory_space<vmem>>, vector<1x128xf32>
    %add3A_15 = vector.broadcast %get3A_14 : vector<1x128xf32> to vector<1024x128xf32>
    %add3A_16 = arith.addf %dot_general3A_11, %add3A_15 : vector<1024x128xf32>
    %max3A = arith.constant 0.000000e+00 : f32
    %max3A_17 = vector.broadcast %max3A : f32 to vector<1024x128xf32>
    %max3A_18 = arith.maximumf %add3A_16, %max3A_17 : vector<1024x128xf32>
    %mul3A_19 = arith.mulf %max3A_18, %get3A_1 : vector<1024x128xf32>
    %swap3A = arith.constant 0 : index
    %swap3A_20 = arith.constant 0 : index
    %swap3A_21 = vector.load %arg6[%swap3A, %swap3A_20] : memref<1024x128xf32, #tpu.memory_space<vmem>>, vector<1024x128xf32>
    tpu.vector_store %arg6[%swap3A, %swap3A_20], %mul3A_19 {strides = array<i32>} : memref<1024x128xf32, #tpu.memory_space<vmem>>, vector<1024x128xf32>,
    return
  }
  func.func @transform_0(%arg0: i32) -> (i32, i32) {
    %c0_i32 = arith.constant 0 : i32
    %c0_i32_0 = arith.constant 0 : i32
    return %arg0, %c0_i32 : i32, i32
  }
  func.func @transform_1(%arg0: i32) -> (i32, i32) {
    %c0_i32 = arith.constant 0 : i32
    %c0_i32_0 = arith.constant 0 : i32
    return %arg0, %c0_i32 : i32, i32
  }
  func.func @transform_2(%arg0: i32) -> (i32, i32) {
    %c0_i32 = arith.constant 0 : i32
    %c0_i32_0 = arith.constant 0 : i32
    return %arg0, %c0_i32 : i32, i32
  }
  func.func @transform_3(%arg0: i32) -> (i32, i32) {
    %c0_i32 = arith.constant 0 : i32
    %c0_i32_0 = arith.constant 0 : i32
    %c0_i32_1 = arith.constant 0 : i32
    return %c0_i32, %c0_i32_0 : i32, i32
  }
  func.func @transform_4(%arg0: i32) -> (i32, i32) {
    %c0_i32 = arith.constant 0 : i32
    %c0_i32_0 = arith.constant 0 : i32
    %c0_i32_1 = arith.constant 0 : i32
    return %c0_i32, %c0_i32_0 : i32, i32
  }
  func.func @transform_5(%arg0: i32) -> (i32, i32) {
    %c0_i32 = arith.constant 0 : i32
    %c0_i32_0 = arith.constant 0 : i32
    return %arg0, %c0_i32 : i32, i32
  }
}

module attributes {stable_mosaic.version = 14 : i64} {
  func.func @_t1_body(%arg0: i32, %arg1: memref<1024x128xf32, #tpu.memory_space<vmem>>, %arg2: memref<1024x128xf32, #tpu.memory_space<vmem>>, %arg3: memref<1024x128xf32, #tpu.memory_space<vmem>>, %arg4: memref<1024x128xf32, #tpu.memory_space<vmem>>, %arg5: memref<1024x128xf32, #tpu.memory_space<vmem>>) attributes {dimension_semantics = [#tpu.dimension_semantics<arbitrary>], iteration_bounds = array<i64: 10>, scalar_prefetch = 0 : i64, scratch_operands = 0 : i64, tpu.core_type = #tpu.core_type<tc>, window_params = [{transform_indices = @transform_0, window_bounds = array<i64: 1024, 128>}, {transform_indices = @transform_1, window_bounds = array<i64: 1024, 128>}, {transform_indices = @transform_2, window_bounds = array<i64: 1024, 128>}, {transform_indices = @transform_3, window_bounds = array<i64: 1024, 128>}, {transform_indices = @transform_4, window_bounds = array<i64: 1024, 128>}]} {
    %get3A = arith.constant 0 : index
    %get3A_0 = arith.constant 0 : index
    %get3A_1 = vector.load %arg1[%get3A, %get3A_0] : memref<1024x128xf32, #tpu.memory_space<vmem>>, vector<1024x128xf32>
    %get3A_2 = arith.constant 0 : index
    %get3A_3 = arith.constant 0 : index
    %get3A_4 = vector.load %arg2[%get3A_2, %get3A_3] : memref<1024x128xf32, #tpu.memory_space<vmem>>, vector<1024x128xf32>
    %add3A = arith.addf %get3A_1, %get3A_4 : vector<1024x128xf32>
    %reduce_max3A = arith.constant dense<0xFF800000> : vector<1024xf32>
    %reduce_max3A_5 = vector.multi_reduction <maximumf>, %add3A, %reduce_max3A [1] : vector<1024x128xf32> to vector<1024xf32>
    %broadcast_in_dim3A = vector.shape_cast %reduce_max3A_5 : vector<1024xf32> to vector<1024x1xf32>
    %max3A = arith.constant 1.000000e+00 : f32
    %max3A_6 = vector.broadcast %max3A : f32 to vector<1024x1xf32>
    %max3A_7 = arith.maximumf %broadcast_in_dim3A, %max3A_6 : vector<1024x1xf32>
    %rsqrt3A = math.rsqrt %max3A_7 : vector<1024x1xf32>
    %broadcast_in_dim3A_8 = vector.shape_cast %rsqrt3A : vector<1024x1xf32> to vector<1024x1xf32>
    %broadcast_in_dim3A_9 = vector.broadcast %broadcast_in_dim3A_8 : vector<1024x1xf32> to vector<1024x128xf32>
    %swap3A = arith.constant 0 : index
    %swap3A_10 = arith.constant 0 : index
    %swap3A_11 = vector.load %arg4[%swap3A, %swap3A_10] : memref<1024x128xf32, #tpu.memory_space<vmem>>, vector<1024x128xf32>
    tpu.vector_store %arg4[%swap3A, %swap3A_10], %broadcast_in_dim3A_9 {strides = array<i32>} : memref<1024x128xf32, #tpu.memory_space<vmem>>, vector<1024x128xf32>,
    %get3A_12 = arith.constant 0 : index
    %get3A_13 = arith.constant 0 : index
    %get3A_14 = vector.load %arg3[%get3A_12, %get3A_13] : memref<1024x128xf32, #tpu.memory_space<vmem>>, vector<1024x128xf32>
    %mul3A = arith.mulf %get3A_14, %broadcast_in_dim3A_9 : vector<1024x128xf32>
    %swap3A_15 = arith.constant 0 : index
    %swap3A_16 = arith.constant 0 : index
    %swap3A_17 = vector.load %arg5[%swap3A_15, %swap3A_16] : memref<1024x128xf32, #tpu.memory_space<vmem>>, vector<1024x128xf32>
    tpu.vector_store %arg5[%swap3A_15, %swap3A_16], %mul3A {strides = array<i32>} : memref<1024x128xf32, #tpu.memory_space<vmem>>, vector<1024x128xf32>,
    return
  }
  func.func @transform_0(%arg0: i32) -> (i32, i32) {
    %c0_i32 = arith.constant 0 : i32
    %c0_i32_0 = arith.constant 0 : i32
    return %arg0, %c0_i32 : i32, i32
  }
  func.func @transform_1(%arg0: i32) -> (i32, i32) {
    %c0_i32 = arith.constant 0 : i32
    %c0_i32_0 = arith.constant 0 : i32
    return %arg0, %c0_i32 : i32, i32
  }
  func.func @transform_2(%arg0: i32) -> (i32, i32) {
    %c0_i32 = arith.constant 0 : i32
    %c0_i32_0 = arith.constant 0 : i32
    return %arg0, %c0_i32 : i32, i32
  }
  func.func @transform_3(%arg0: i32) -> (i32, i32) {
    %c0_i32 = arith.constant 0 : i32
    %c0_i32_0 = arith.constant 0 : i32
    return %arg0, %c0_i32 : i32, i32
  }
  func.func @transform_4(%arg0: i32) -> (i32, i32) {
    %c0_i32 = arith.constant 0 : i32
    %c0_i32_0 = arith.constant 0 : i32
    return %arg0, %c0_i32 : i32, i32
  }
}

module attributes {stable_mosaic.version = 14 : i64} {
  func.func @_t3_body(%arg0: i32, %arg1: memref<1024x128xf32, #tpu.memory_space<vmem>>, %arg2: memref<1024x128xf32, #tpu.memory_space<vmem>>, %arg3: memref<1024x128xf32, #tpu.memory_space<vmem>>, %arg4: memref<1x128xf32, #tpu.memory_space<vmem>>) attributes {dimension_semantics = [#tpu.dimension_semantics<arbitrary>], iteration_bounds = array<i64: 10>, scalar_prefetch = 0 : i64, scratch_operands = 0 : i64, tpu.core_type = #tpu.core_type<tc>, window_params = [{transform_indices = @transform_0, window_bounds = array<i64: 1024, 128>}, {transform_indices = @transform_1, window_bounds = array<i64: 1024, 128>}, {transform_indices = @transform_2, window_bounds = array<i64: 1024, 128>}, {pipeline_mode = #tpu.pipeline_mode<synchronous>, transform_indices = @transform_3, window_bounds = array<i64: 1, 128>}]} {
    %get3A = arith.constant 0 : index
    %get3A_0 = arith.constant 0 : index
    %get3A_1 = vector.load %arg1[%get3A, %get3A_0] : memref<1024x128xf32, #tpu.memory_space<vmem>>, vector<1024x128xf32>
    %get3A_2 = arith.constant 0 : index
    %get3A_3 = arith.constant 0 : index
    %get3A_4 = vector.load %arg2[%get3A_2, %get3A_3] : memref<1024x128xf32, #tpu.memory_space<vmem>>, vector<1024x128xf32>
    %add3A = arith.addf %get3A_1, %get3A_4 : vector<1024x128xf32>
    %get3A_5 = arith.constant 0 : index
    %get3A_6 = arith.constant 0 : index
    %get3A_7 = vector.load %arg3[%get3A_5, %get3A_6] : memref<1024x128xf32, #tpu.memory_space<vmem>>, vector<1024x128xf32>
    %mul3A = arith.mulf %add3A, %get3A_7 : vector<1024x128xf32>
    %mul3A_8 = arith.constant 1024 : i32
    %mul3A_9 = arith.muli %arg0, %mul3A_8 : i32
    %iota3A = tpu.iota {dimensions = array<i32: 0>} : vector<1024x128xi32>
    %add3A_10 = vector.broadcast %mul3A_9 : i32 to vector<1024x128xi32>
    %add3A_11 = arith.addi %add3A_10, %iota3A : vector<1024x128xi32>
    %lt3A = arith.constant 10000 : i32
    %lt3A_12 = vector.broadcast %lt3A : i32 to vector<1024x128xi32>
    %lt3A_13 = arith.cmpi slt, %add3A_11, %lt3A_12 : vector<1024x128xi32>
    %jit3A = arith.constant 0.000000e+00 : f32
    %broadcast_in_dim3A = vector.broadcast %jit3A : f32 to vector<1024x128xf32>
    %select_n3A = arith.select %lt3A_13, %mul3A, %broadcast_in_dim3A : vector<1024x128xi1>, vector<1024x128xf32>
    %eq3A = arith.constant 0 : i32
    %eq3A_14 = arith.cmpi eq, %arg0, %eq3A : i32
    %convert_element_type3A = arith.extui %eq3A_14 : i1 to i32
    %cond3A = arith.constant 0 : i32
    %cond3A_15 = arith.cmpi ne, %convert_element_type3A, %cond3A : i32
    scf.if %cond3A_15 {
      %broadcast_in_dim3A_24 = arith.constant 0.000000e+00 : f32
      %broadcast_in_dim3A_25 = vector.broadcast %broadcast_in_dim3A_24 : f32 to vector<1x128xf32>
      %swap3A_26 = arith.constant 0 : index
      %swap3A_27 = arith.constant 0 : index
      %swap3A_28 = vector.load %arg4[%swap3A_26, %swap3A_27] : memref<1x128xf32, #tpu.memory_space<vmem>>, vector<1x128xf32>
      tpu.vector_store %arg4[%swap3A_26, %swap3A_27], %broadcast_in_dim3A_25 {strides = array<i32>} : memref<1x128xf32, #tpu.memory_space<vmem>>, vector<1x128xf32>,
    } else {
    }
    %get3A_16 = arith.constant 0 : index
    %get3A_17 = arith.constant 0 : index
    %get3A_18 = vector.load %arg4[%get3A_16, %get3A_17] : memref<1x128xf32, #tpu.memory_space<vmem>>, vector<1x128xf32>
    %reduce_sum3A = arith.constant dense<0.000000e+00> : vector<128xf32>
    %reduce_sum3A_19 = vector.multi_reduction <add>, %select_n3A, %reduce_sum3A [0] : vector<1024x128xf32> to vector<128xf32>
    %broadcast_in_dim3A_20 = vector.shape_cast %reduce_sum3A_19 : vector<128xf32> to vector<1x128xf32>
    %add3A_21 = arith.addf %get3A_18, %broadcast_in_dim3A_20 : vector<1x128xf32>
    %swap3A = arith.constant 0 : index
    %swap3A_22 = arith.constant 0 : index
    %swap3A_23 = vector.load %arg4[%swap3A, %swap3A_22] : memref<1x128xf32, #tpu.memory_space<vmem>>, vector<1x128xf32>
    tpu.vector_store %arg4[%swap3A, %swap3A_22], %add3A_21 {strides = array<i32>} : memref<1x128xf32, #tpu.memory_space<vmem>>, vector<1x128xf32>,
    return
  }
  func.func @transform_0(%arg0: i32) -> (i32, i32) {
    %c0_i32 = arith.constant 0 : i32
    %c0_i32_0 = arith.constant 0 : i32
    return %arg0, %c0_i32 : i32, i32
  }
  func.func @transform_1(%arg0: i32) -> (i32, i32) {
    %c0_i32 = arith.constant 0 : i32
    %c0_i32_0 = arith.constant 0 : i32
    return %arg0, %c0_i32 : i32, i32
  }
  func.func @transform_2(%arg0: i32) -> (i32, i32) {
    %c0_i32 = arith.constant 0 : i32
    %c0_i32_0 = arith.constant 0 : i32
    return %arg0, %c0_i32 : i32, i32
  }
  func.func @transform_3(%arg0: i32) -> (i32, i32) {
    %c0_i32 = arith.constant 0 : i32
    %c0_i32_0 = arith.constant 0 : i32
    %c0_i32_1 = arith.constant 0 : i32
    return %c0_i32, %c0_i32_0 : i32, i32
  }
}

module attributes {stable_mosaic.version = 14 : i64} {
  func.func @_t4_body(%arg0: i32, %arg1: memref<8192x128xf32, #tpu.memory_space<vmem>>, %arg2: memref<8192x128xf32, #tpu.memory_space<vmem>>, %arg3: memref<8192x128xf32, #tpu.memory_space<vmem>>, %arg4: memref<1x128xf32, #tpu.memory_space<vmem>>, %arg5: memref<128x128xf32, #tpu.memory_space<vmem>>, %arg6: memref<1x128xf32, #tpu.memory_space<vmem>>, %arg7: memref<128x128xf32, #tpu.memory_space<vmem>>, %arg8: memref<128x128xf32, #tpu.memory_space<vmem>>, %arg9: memref<128x128xf32, #tpu.memory_space<vmem>>, %arg10: memref<1x128xf32, #tpu.memory_space<vmem>>, %arg11: memref<1x128xf32, #tpu.memory_space<vmem>>, %arg12: memref<128x1xf32, #tpu.memory_space<vmem>>, %arg13: memref<1x1xf32, #tpu.memory_space<vmem>>, %arg14: memref<8192x1xf32, #tpu.memory_space<vmem>>) attributes {dimension_semantics = [#tpu.dimension_semantics<arbitrary>], iteration_bounds = array<i64: 1>, scalar_prefetch = 0 : i64, scratch_operands = 0 : i64, tpu.core_type = #tpu.core_type<tc>, window_params = [{pipeline_mode = #tpu.pipeline_mode<synchronous>, transform_indices = @transform_0, window_bounds = array<i64: 8192, 128>}, {pipeline_mode = #tpu.pipeline_mode<synchronous>, transform_indices = @transform_1, window_bounds = array<i64: 8192, 128>}, {pipeline_mode = #tpu.pipeline_mode<synchronous>, transform_indices = @transform_2, window_bounds = array<i64: 8192, 128>}, {pipeline_mode = #tpu.pipeline_mode<synchronous>, transform_indices = @transform_3, window_bounds = array<i64: 1, 128>}, {pipeline_mode = #tpu.pipeline_mode<synchronous>, transform_indices = @transform_4, window_bounds = array<i64: 128, 128>}, {pipeline_mode = #tpu.pipeline_mode<synchronous>, transform_indices = @transform_5, window_bounds = array<i64: 1, 128>}, {pipeline_mode = #tpu.pipeline_mode<synchronous>, transform_indices = @transform_6, window_bounds = array<i64: 128, 128>}, {pipeline_mode = #tpu.pipeline_mode<synchronous>, transform_indices = @transform_7, window_bounds = array<i64: 128, 128>}, {pipeline_mode = #tpu.pipeline_mode<synchronous>, transform_indices = @transform_8, window_bounds = array<i64: 128, 128>}, {pipeline_mode = #tpu.pipeline_mode<synchronous>, transform_indices = @transform_9, window_bounds = array<i64: 1, 128>}, {pipeline_mode = #tpu.pipeline_mode<synchronous>, transform_indices = @transform_10, window_bounds = array<i64: 1, 128>}, {pipeline_mode = #tpu.pipeline_mode<synchronous>, transform_indices = @transform_11, window_bounds = array<i64: 128, 1>}, {pipeline_mode = #tpu.pipeline_mode<synchronous>, transform_indices = @transform_12, window_bounds = array<i64: 1, 1>}, {pipeline_mode = #tpu.pipeline_mode<synchronous>, transform_indices = @transform_13, window_bounds = array<i64: 8192, 1>}]} {
    %get3A = arith.constant 0 : index
    %get3A_0 = arith.constant 0 : index
    %get3A_1 = vector.load %arg4[%get3A, %get3A_0] : memref<1x128xf32, #tpu.memory_space<vmem>>, vector<1x128xf32>
    %get3A_2 = arith.constant 0 : index
    %get3A_3 = arith.constant 0 : index
    %get3A_4 = vector.load %arg5[%get3A_2, %get3A_3] : memref<128x128xf32, #tpu.memory_space<vmem>>, vector<128x128xf32>
    %dot_general3A = arith.constant dense<0.000000e+00> : vector<1x128xf32>
    %dot_general3A_5 = tpu.matmul %get3A_1, %get3A_4, %dot_general3A {dimension_numbers = #tpu.dot_dimension_numbers<[1], [0], [0], [1], [0, 0, 1, 1], [], []>, transpose_lhs_hint = false} : vector<1x128xf32>, vector<128x128xf32>, vector<1x128xf32> -> vector<1x128xf32>
    %mul3A = arith.constant 9.99999974E-5 : f32
    %mul3A_6 = vector.broadcast %mul3A : f32 to vector<1x128xf32>
    %mul3A_7 = arith.mulf %dot_general3A_5, %mul3A_6 : vector<1x128xf32>
    %get3A_8 = arith.constant 0 : index
    %get3A_9 = arith.constant 0 : index
    %get3A_10 = vector.load %arg6[%get3A_8, %get3A_9] : memref<1x128xf32, #tpu.memory_space<vmem>>, vector<1x128xf32>
    %add3A = arith.addf %mul3A_7, %get3A_10 : vector<1x128xf32>
    %get3A_11 = arith.constant 0 : index
    %get3A_12 = arith.constant 0 : index
    %get3A_13 = vector.load %arg10[%get3A_11, %get3A_12] : memref<1x128xf32, #tpu.memory_space<vmem>>, vector<1x128xf32>
    %get3A_14 = arith.constant 0 : index
    %get3A_15 = arith.constant 0 : index
    %get3A_16 = vector.load %arg7[%get3A_14, %get3A_15] : memref<128x128xf32, #tpu.memory_space<vmem>>, vector<128x128xf32>
    %dot_general3A_17 = arith.constant dense<0.000000e+00> : vector<1x128xf32>
    %dot_general3A_18 = tpu.matmul %get3A_13, %get3A_16, %dot_general3A_17 {dimension_numbers = #tpu.dot_dimension_numbers<[1], [0], [0], [1], [0, 0, 1, 1], [], []>, transpose_lhs_hint = false} : vector<1x128xf32>, vector<128x128xf32>, vector<1x128xf32> -> vector<1x128xf32>
    %get3A_19 = arith.constant 0 : index
    %get3A_20 = arith.constant 0 : index
    %get3A_21 = vector.load %arg9[%get3A_19, %get3A_20] : memref<128x128xf32, #tpu.memory_space<vmem>>, vector<128x128xf32>
    %dot_general3A_22 = arith.constant dense<0.000000e+00> : vector<1x128xf32>
    %dot_general3A_23 = tpu.matmul %add3A, %get3A_21, %dot_general3A_22 {dimension_numbers = #tpu.dot_dimension_numbers<[1], [0], [0], [1], [0, 0, 1, 1], [], []>, transpose_lhs_hint = false} : vector<1x128xf32>, vector<128x128xf32>, vector<1x128xf32> -> vector<1x128xf32>
    %add3A_24 = arith.addf %dot_general3A_18, %dot_general3A_23 : vector<1x128xf32>
    %get3A_25 = arith.constant 0 : index
    %get3A_26 = arith.constant 0 : index
    %get3A_27 = vector.load %arg6[%get3A_25, %get3A_26] : memref<1x128xf32, #tpu.memory_space<vmem>>, vector<1x128xf32>
    %get3A_28 = arith.constant 0 : index
    %get3A_29 = arith.constant 0 : index
    %get3A_30 = vector.load %arg8[%get3A_28, %get3A_29] : memref<128x128xf32, #tpu.memory_space<vmem>>, vector<128x128xf32>
    %dot_general3A_31 = arith.constant dense<0.000000e+00> : vector<1x128xf32>
    %dot_general3A_32 = tpu.matmul %get3A_27, %get3A_30, %dot_general3A_31 {dimension_numbers = #tpu.dot_dimension_numbers<[1], [0], [0], [1], [0, 0, 1, 1], [], []>, transpose_lhs_hint = false} : vector<1x128xf32>, vector<128x128xf32>, vector<1x128xf32> -> vector<1x128xf32>
    %add3A_33 = arith.addf %add3A_24, %dot_general3A_32 : vector<1x128xf32>
    %get3A_34 = arith.constant 0 : index
    %get3A_35 = arith.constant 0 : index
    %get3A_36 = vector.load %arg11[%get3A_34, %get3A_35] : memref<1x128xf32, #tpu.memory_space<vmem>>, vector<1x128xf32>
    %add3A_37 = arith.addf %add3A_33, %get3A_36 : vector<1x128xf32>
    %get3A_38 = arith.constant 0 : index
    %get3A_39 = arith.constant 0 : index
    %get3A_40 = vector.load %arg5[%get3A_38, %get3A_39] : memref<128x128xf32, #tpu.memory_space<vmem>>, vector<128x128xf32>
    %get3A_41 = arith.constant 0 : index
    %get3A_42 = arith.constant 0 : index
    %get3A_43 = vector.load %arg8[%get3A_41, %get3A_42] : memref<128x128xf32, #tpu.memory_space<vmem>>, vector<128x128xf32>
    %dot_general3A_44 = arith.constant dense<0.000000e+00> : vector<128x128xf32>
    %dot_general3A_45 = tpu.matmul %get3A_40, %get3A_43, %dot_general3A_44 {dimension_numbers = #tpu.dot_dimension_numbers<[1], [0], [0], [1], [0, 0, 1, 1], [], []>, transpose_lhs_hint = false} : vector<128x128xf32>, vector<128x128xf32>, vector<128x128xf32> -> vector<128x128xf32>
    %get3A_46 = arith.constant 0 : index
    %get3A_47 = arith.constant 0 : index
    %get3A_48 = vector.load %arg1[%get3A_46, %get3A_47] : memref<8192x128xf32, #tpu.memory_space<vmem>>, vector<8192x128xf32>
    %get3A_49 = arith.constant 0 : index
    %get3A_50 = arith.constant 0 : index
    %get3A_51 = vector.load %arg2[%get3A_49, %get3A_50] : memref<8192x128xf32, #tpu.memory_space<vmem>>, vector<8192x128xf32>
    %add3A_52 = arith.addf %get3A_48, %get3A_51 : vector<8192x128xf32>
    %get3A_53 = arith.constant 0 : index
    %get3A_54 = arith.constant 0 : index
    %get3A_55 = vector.load %arg3[%get3A_53, %get3A_54] : memref<8192x128xf32, #tpu.memory_space<vmem>>, vector<8192x128xf32>
    %mul3A_56 = arith.mulf %add3A_52, %get3A_55 : vector<8192x128xf32>
    %dot_general3A_57 = arith.constant dense<0.000000e+00> : vector<8192x128xf32>
    %dot_general3A_58 = tpu.matmul %mul3A_56, %dot_general3A_45, %dot_general3A_57 {dimension_numbers = #tpu.dot_dimension_numbers<[1], [0], [0], [1], [0, 0, 1, 1], [], []>, transpose_lhs_hint = false} : vector<8192x128xf32>, vector<128x128xf32>, vector<8192x128xf32> -> vector<8192x128xf32>
    %add3A_59 = vector.broadcast %add3A_37 : vector<1x128xf32> to vector<8192x128xf32>
    %add3A_60 = arith.addf %dot_general3A_58, %add3A_59 : vector<8192x128xf32>
    %max3A = arith.constant 0.000000e+00 : f32
    %max3A_61 = vector.broadcast %max3A : f32 to vector<8192x128xf32>
    %max3A_62 = arith.maximumf %add3A_60, %max3A_61 : vector<8192x128xf32>
    %get3A_63 = arith.constant 0 : index
    %get3A_64 = arith.constant 0 : index
    %get3A_65 = vector.load %arg12[%get3A_63, %get3A_64] : memref<128x1xf32, #tpu.memory_space<vmem>>, vector<128x1xf32>
    %dot_general3A_66 = arith.constant dense<0.000000e+00> : vector<8192x1xf32>
    %dot_general3A_67 = tpu.matmul %max3A_62, %get3A_65, %dot_general3A_66 {dimension_numbers = #tpu.dot_dimension_numbers<[1], [0], [0], [1], [0, 0, 1, 1], [], []>, transpose_lhs_hint = false} : vector<8192x128xf32>, vector<128x1xf32>, vector<8192x1xf32> -> vector<8192x1xf32>
    %get3A_68 = arith.constant 0 : index
    %get3A_69 = arith.constant 0 : index
    %get3A_70 = vector.load %arg13[%get3A_68, %get3A_69] : memref<1x1xf32, #tpu.memory_space<vmem>>, vector<1x1xf32>
    %add3A_71 = vector.broadcast %get3A_70 : vector<1x1xf32> to vector<8192x1xf32>
    %add3A_72 = arith.addf %dot_general3A_67, %add3A_71 : vector<8192x1xf32>
    %iota3A = tpu.iota {dimensions = array<i32: 0>} : vector<8192x1xi32>
    %lt3A = arith.constant 5000 : i32
    %lt3A_73 = vector.broadcast %lt3A : i32 to vector<8192x1xi32>
    %lt3A_74 = arith.cmpi slt, %iota3A, %lt3A_73 : vector<8192x1xi32>
    %broadcast_in_dim3A = arith.constant -1.000000e+30 : f32
    %broadcast_in_dim3A_75 = vector.broadcast %broadcast_in_dim3A : f32 to vector<8192x1xf32>
    %select_n3A = arith.select %lt3A_74, %add3A_72, %broadcast_in_dim3A_75 : vector<8192x1xi1>, vector<8192x1xf32>
    %reduce_max3A = vector.shape_cast %select_n3A : vector<8192x1xf32> to vector<1x8192x1xf32>
    %reduce_max3A_76 = arith.constant dense<0xFF800000> : vector<1xf32>
    %reduce_max3A_77 = vector.multi_reduction <maximumf>, %reduce_max3A, %reduce_max3A_76 [1, 2] : vector<1x8192x1xf32> to vector<1xf32>
    %reduce_max3A_78 = vector.shape_cast %reduce_max3A_77 : vector<1xf32> to vector<1x1x1xf32>
    %reduce_max3A_79 = vector.extract %reduce_max3A_78[0, 0, 0] : f32 from vector<1x1x1xf32>
    %sub3A = vector.broadcast %reduce_max3A_79 : f32 to vector<8192x1xf32>
    %sub3A_80 = arith.subf %select_n3A, %sub3A : vector<8192x1xf32>
    %exp3A = math.exp %sub3A_80 : vector<8192x1xf32>
    %jit3A = arith.constant 0.000000e+00 : f32
    %broadcast_in_dim3A_81 = vector.broadcast %jit3A : f32 to vector<8192x1xf32>
    %select_n3A_82 = arith.select %lt3A_74, %exp3A, %broadcast_in_dim3A_81 : vector<8192x1xi1>, vector<8192x1xf32>
    %reduce_sum3A = vector.shape_cast %select_n3A_82 : vector<8192x1xf32> to vector<1x8192x1xf32>
    %reduce_sum3A_83 = arith.constant dense<0.000000e+00> : vector<1xf32>
    %reduce_sum3A_84 = vector.multi_reduction <add>, %reduce_sum3A, %reduce_sum3A_83 [1, 2] : vector<1x8192x1xf32> to vector<1xf32>
    %reduce_sum3A_85 = vector.shape_cast %reduce_sum3A_84 : vector<1xf32> to vector<1x1x1xf32>
    %reduce_sum3A_86 = vector.extract %reduce_sum3A_85[0, 0, 0] : f32 from vector<1x1x1xf32>
    %div3A = vector.broadcast %reduce_sum3A_86 : f32 to vector<8192x1xf32>
    %div3A_87 = arith.divf %select_n3A_82, %div3A : vector<8192x1xf32>
    %swap3A = arith.constant 0 : index
    %swap3A_88 = arith.constant 0 : index
    %swap3A_89 = vector.load %arg14[%swap3A, %swap3A_88] : memref<8192x1xf32, #tpu.memory_space<vmem>>, vector<8192x1xf32>
    tpu.vector_store %arg14[%swap3A, %swap3A_88], %div3A_87 {strides = array<i32>} : memref<8192x1xf32, #tpu.memory_space<vmem>>, vector<8192x1xf32>,
    return
  }
  func.func @transform_0(%arg0: i32) -> (i32, i32) {
    %c0_i32 = arith.constant 0 : i32
    %c0_i32_0 = arith.constant 0 : i32
    %c0_i32_1 = arith.constant 0 : i32
    return %c0_i32, %c0_i32_0 : i32, i32
  }
  func.func @transform_1(%arg0: i32) -> (i32, i32) {
    %c0_i32 = arith.constant 0 : i32
    %c0_i32_0 = arith.constant 0 : i32
    %c0_i32_1 = arith.constant 0 : i32
    return %c0_i32, %c0_i32_0 : i32, i32
  }
  func.func @transform_2(%arg0: i32) -> (i32, i32) {
    %c0_i32 = arith.constant 0 : i32
    %c0_i32_0 = arith.constant 0 : i32
    %c0_i32_1 = arith.constant 0 : i32
    return %c0_i32, %c0_i32_0 : i32, i32
  }
  func.func @transform_3(%arg0: i32) -> (i32, i32) {
    %c0_i32 = arith.constant 0 : i32
    %c0_i32_0 = arith.constant 0 : i32
    %c0_i32_1 = arith.constant 0 : i32
    return %c0_i32, %c0_i32_0 : i32, i32
  }
  func.func @transform_4(%arg0: i32) -> (i32, i32) {
    %c0_i32 = arith.constant 0 : i32
    %c0_i32_0 = arith.constant 0 : i32
    %c0_i32_1 = arith.constant 0 : i32
    return %c0_i32, %c0_i32_0 : i32, i32
  }
  func.func @transform_5(%arg0: i32) -> (i32, i32) {
    %c0_i32 = arith.constant 0 : i32
    %c0_i32_0 = arith.constant 0 : i32
    %c0_i32_1 = arith.constant 0 : i32
    return %c0_i32, %c0_i32_0 : i32, i32
  }
  func.func @transform_6(%arg0: i32) -> (i32, i32) {
    %c0_i32 = arith.constant 0 : i32
    %c0_i32_0 = arith.constant 0 : i32
    %c0_i32_1 = arith.constant 0 : i32
    return %c0_i32, %c0_i32_0 : i32, i32
  }
  func.func @transform_7(%arg0: i32) -> (i32, i32) {
    %c0_i32 = arith.constant 0 : i32
    %c0_i32_0 = arith.constant 0 : i32
    %c0_i32_1 = arith.constant 0 : i32
    return %c0_i32, %c0_i32_0 : i32, i32
  }
  func.func @transform_8(%arg0: i32) -> (i32, i32) {
    %c0_i32 = arith.constant 0 : i32
    %c0_i32_0 = arith.constant 0 : i32
    %c0_i32_1 = arith.constant 0 : i32
    return %c0_i32, %c0_i32_0 : i32, i32
  }
  func.func @transform_9(%arg0: i32) -> (i32, i32) {
    %c0_i32 = arith.constant 0 : i32
    %c0_i32_0 = arith.constant 0 : i32
    %c0_i32_1 = arith.constant 0 : i32
    return %c0_i32, %c0_i32_0 : i32, i32
  }
  func.func @transform_10(%arg0: i32) -> (i32, i32) {
    %c0_i32 = arith.constant 0 : i32
    %c0_i32_0 = arith.constant 0 : i32
    %c0_i32_1 = arith.constant 0 : i32
    return %c0_i32, %c0_i32_0 : i32, i32
  }
  func.func @transform_11(%arg0: i32) -> (i32, i32) {
    %c0_i32 = arith.constant 0 : i32
    %c0_i32_0 = arith.constant 0 : i32
    %c0_i32_1 = arith.constant 0 : i32
    return %c0_i32, %c0_i32_0 : i32, i32
  }
  func.func @transform_12(%arg0: i32) -> (i32, i32) {
    %c0_i32 = arith.constant 0 : i32
    %c0_i32_0 = arith.constant 0 : i32
    %c0_i32_1 = arith.constant 0 : i32
    return %c0_i32, %c0_i32_0 : i32, i32
  }
  func.func @transform_13(%arg0: i32) -> (i32, i32) {
    %c0_i32 = arith.constant 0 : i32
    %c0_i32_0 = arith.constant 0 : i32
    %c0_i32_1 = arith.constant 0 : i32
    return %c0_i32, %c0_i32_0 : i32, i32
  }
}

</mosaic_0001>

<sc_bundles>
// kernel: kernel.12.cloned.1.call-start
scs
__scs_entry_jumppad:
0x0: {  	(pc) =	sbr.rel $0x88, $3  }
0x1: {  	(tag) =	ssettag $0x0;
	lr =	simm.s32 $0x1  }
0x2: {  	[smem:$0x3F95] =	sst lr;
	_ =	strace $0xD0000000  }
0x3: {  	_ = 	snop  }
0x4: {  	_ = 	snop  }
0x5: {  	_ = 	snop  }
0x6: {  	_ = 	snop  }
0x7: {  	_ = 	snop  }
__scs_overlays_trampoline_lowered:
0x8: {  	[smem:$0x3FA4] =	sst s0  }
0x9: {  	[smem:$0x3FA5] =	sst s1  }
0xa: {  	[smem:$0x3FA6] =	sst s2  }
0xb: {  	[smem:$0x3FA7] =	sst s3  }
0xc: {  	[smem:$0x3FA8] =	sst s4  }
0xd: {  	[smem:$0x3FA9] =	sst s5  }
0xe: {  	[smem:$0x3FAA] =	sst s6  }
0xf: {  	[smem:$0x3FAB] =	sst s7  }
0x10: {  	[smem:$0x3FAC] =	sst s8  }
0x11: {  	[smem:$0x3FAD] =	sst s9;
	s0 =	simm.s32 @!p0 $0x0  }
0x12: {  	s1 =	sld [smem:$0x3F93];
	s0 =	simm.s32 @p0 $0x1  }
0x13: {  	[smem:$0x3FAE] =	sst s0;
	s0 =	simm.s32 @!p1 $0x0  }
0x14: {  	s2 =	sld [smem:$0x3F92];
	s0 =	simm.s32 @p1 $0x1  }
0x15: {  	[smem:$0x3FAF] =	sst s0;
	s0 =	simm.s32 @!p2 $0x0  }
0x16: {  	s3 =	sld [smem:$0x3FDB];
	s0 =	simm.s32 @p2 $0x1  }
0x17: {  	s4 =	simm.s32 $0x1BF5;
	[smem:$0x3FB1] =	sst s0  }
0x18: {  	s0 =	sld [smem:$0x3F94];
	_ =	swait.ge [sflag:s4], $0x0  }
0x19: {  	s7 =	sld [smem:$0x3F95]  }
0x1a: {  	s8 =	sadd.s32 $0xFFFFE003, lr  }
0x1b: {  	s9 =	sadd.s32 $0xFFFFFEF7, lr;
	s5 =	simm.s32 $0xFFFFFFFF;
	p2 =	slt.u32 s8, $0xFFFFF086  }
0x1c: {  	p1 =	slt.u32 s9, $0xF7A;
	s5 =	simm.s32 @!p2 $0x0  }
0x1d: {  	s5 =	simm.s32 @p1 $0x1;
	p0 =	seq.s32 s7, s2  }
0x1e: {  	s7 =	smul.u32 @!p0 $0xF7A, s2;
	p2 =	seq.s32 @!p0 s5, $0x0  }
0x1f: {  	s9 =	smul.u32 $0xF7A, s1;
	s8 =	simm.s32 @!p0 $0x1BF5;
	p2 =	por !p2, p0  }
0x20: {  	[sflag:s8] =	ssyncset.s32 @!p0 $0xFFFFF086;
	s6 =	sadd.s32 @!p0 s3, s7;
	s7 =	simm.s32 @!p0 $0x108  }
0x21: {  	s3 =	sadd.s32 s3, s9;
	s6 =	sadd.s32 @!p0 $0x88, s6;
	s7 =	simm.s32 @p2 $0x1082  }
0x22: {  	[simem:s7], [sflag:s8] =	dma.local @!p0 [hbm:s6], $0xF7A  }
0x23: {  	s9 =	sor.u32 $0xD0000000, s2;
	s6 =	simm.s32 $0x108;
	_ =	swait.ge @!p0 [sflag:s8], $0x0  }
0x24: {  	s3 =	sadd.s32 $0x88, s3;
	s6 =	simm.s32 @!p1 $0x1082;
	[sflag:s4] =	ssyncset.s32 $0xFFFFF086  }
0x25: {  	[simem:s6], [sflag:s4] =	dma.local [hbm:s3], $0xF7A  }
0x26: {  	[smem:$0x3F95] =	sst s1;
	(tag) =	ssettag s2;
	_ =	strace s9  }
0x27: {  	s1 =	sld [smem:$0x3FA5]  }
0x28: {  	s2 =	sld [smem:$0x3FA6]  }
0x29: {  	s4 =	sld [smem:$0x3FA8]  }
0x2a: {  	p0 =	seq.s32 s5, $0x0;
	s5 =	sld [smem:$0x3FA9]  }
0x2b: {  	s6 =	sld [smem:$0x3FAA]  }
0x2c: {  	s7 =	sld [smem:$0x3FAB]  }
0x2d: {  	s3 =	simm.s32 $0x108;
	s8 =	sld [smem:$0x3FAC]  }
0x2e: {  	s3 =	simm.s32 @!p0 $0x1082;
	s9 =	sld [smem:$0x3FAD]  }
0x2f: {  	lr =	sadd.s32 s0, s3;
	s0 =	sld [smem:$0x3FA4]  }
0x30: {  	s3 =	sld [smem:$0x3FA7]  }
0x31: {  	[smem:$0x3FB0] =	sst s10  }
0x32: {  	s10 =	sld [smem:$0x3FAE];
	_ =	sdelay $0x3  }
0x33: {  	p0 =	seq.s32 s10, $0x1;
	s10 =	sld [smem:$0x3FB0];
	_ =	sdelay $0x3  }
0x34: {  	[smem:$0x3FB0] =	sst s10  }
0x35: {  	s10 =	sld [smem:$0x3FAF];
	_ =	sdelay $0x3  }
0x36: {  	p1 =	seq.s32 s10, $0x1;
	s10 =	sld [smem:$0x3FB0];
	_ =	sdelay $0x3  }
0x37: {  	[smem:$0x3FB0] =	sst s10  }
0x38: {  	s10 =	sld [smem:$0x3FB1]  }
0x39: {  	_ = 	snop;
	(pc) =	sbr.ind lr, $3  }
0x3a: {  	_ = 	snop  }
0x3b: {  	_ = 	snop  }
0x3c: {  	p2 =	seq.s32 s10, $0x1;
	s10 =	sld [smem:$0x3FB0]  }
0x3d: {  	_ =	shalt  }
0x3e: {  	_ =	shalt  }
0x3f: {  	_ =	shalt  }
0x40: {  	_ =	shalt  }
0x41: {  	_ =	shalt  }
0x42: {  	_ =	shalt  }
0x43: {  	_ =	shalt  }
0x44: {  	_ =	shalt  }
0x45: {  	_ =	shalt  }
0x46: {  	_ =	shalt  }
0x47: {  	_ =	shalt  }
0x48: {  	_ =	shalt  }
0x49: {  	_ =	shalt  }
0x4a: {  	_ =	shalt  }
0x4b: {  	_ =	shalt  }
0x4c: {  	_ =	shalt  }
0x4d: {  	_ =	shalt  }
0x4e: {  	_ =	shalt  }
0x4f: {  	_ =	shalt  }
0x50: {  	_ =	shalt  }
0x51: {  	_ =	shalt  }
0x52: {  	_ =	shalt  }
0x53: {  	_ =	shalt  }
0x54: {  	_ =	shalt  }
0x55: {  	_ =	shalt  }
0x56: {  	_ =	shalt  }
0x57: {  	_ =	shalt  }
0x58: {  	_ =	shalt  }
0x59: {  	_ =	shalt  }
0x5a: {  	_ =	shalt  }
0x5b: {  	_ =	shalt  }
0x5c: {  	_ =	shalt  }
0x5d: {  	_ =	shalt  }
0x5e: {  	_ =	shalt  }
0x5f: {  	_ =	shalt  }
0x60: {  	_ =	shalt  }
0x61: {  	_ =	shalt  }
0x62: {  	_ =	shalt  }
0x63: {  	_ =	shalt  }
0x64: {  	_ =	shalt  }
0x65: {  	_ =	shalt  }
0x66: {  	_ =	shalt  }
0x67: {  	_ =	shalt  }
0x68: {  	_ =	shalt  }
0x69: {  	_ =	shalt  }
0x6a: {  	_ =	shalt  }
0x6b: {  	_ =	shalt  }
0x6c: {  	_ =	shalt  }
0x6d: {  	_ =	shalt  }
0x6e: {  	_ =	shalt  }
0x6f: {  	_ =	shalt  }
0x70: {  	_ =	shalt  }
0x71: {  	_ =	shalt  }
0x72: {  	_ =	shalt  }
0x73: {  	_ =	shalt  }
0x74: {  	_ =	shalt  }
0x75: {  	_ =	shalt  }
0x76: {  	_ =	shalt  }
0x77: {  	_ =	shalt  }
0x78: {  	_ =	shalt  }
0x79: {  	_ =	shalt  }
0x7a: {  	_ =	shalt  }
0x7b: {  	_ =	shalt  }
0x7c: {  	_ =	shalt  }
0x7d: {  	_ =	shalt  }
0x7e: {  	_ =	shalt  }
0x7f: {  	_ =	shalt  }
0x80: {  	_ =	shalt  }
0x81: {  	_ =	shalt  }
0x82: {  	_ =	shalt  }
0x83: {  	_ =	shalt  }
0x84: {  	_ =	shalt  }
0x85: {  	_ =	shalt  }
0x86: {  	_ =	shalt  }
0x87: {  	_ =	shalt  }
.Lfunc_end0:
.L_simem_size_0:
called_computation.1_lowered:
.L_overlay_start_0:
0x88: {  	s2 =	sld [smem:$0x3FD9]  }
0x89: {  	s3 =	sld [smem:$0x3FFE];
	_ =	sdelay $0x1  }
0x8a: {  	s1 =	srdreg.scid  }
0x8b: {  	s0 =	sand.u32 $0x1, s1  }
0x8c: {  	s16 =	sshll.u32 s0, $0xA;
	s2 =	sadd.s32 s3, s2  }
0x8d: {  	s2 =	sadd.s32 s2, s16  }
0x8e: {  	[smem:$0x3FBC] =	sst s2  }
0x8f: {  	_ = 	snop  }
0x90: {  	(tm) =	ssettm $0x1  }
0x91: {  	s17 =	sld [smem:$0x3FFB];
	_ =	sdelay $0x3  }
0x92: {  	_ =	strace s17  }
0x93: {  	s2 =	sld [smem:$0x3FFC];
	_ =	sdelay $0x3  }
0x94: {  	_ =	strace s2  }
0x95: {  	s2 =	sld [smem:$0x3FFD];
	_ =	sdelay $0x3  }
0x96: {  	_ =	strace s2  }
0x97: {  	_ =	strace $0x8FFFFFFF  }
0x98: {  	s18 =	sld [smem:$0x3FDB];
	_ =	sdelay $0x1  }
0x99: {  	s19 =	simm.s32 $_scs_section_size  }
0x9a: {  	s4 =	simm.s32 $_size__tile_overlayer_lowered;
	s5 =	simm.s32 $_tile_overlayer_lowered  }
0x9b: {  	s22 =	simm.s32 $0x1BFF;
	s21 =	sshll.u32 s5, $0x1;
	s2 =	sadd.s32 s19, s18  }
0x9c: {  	s6 =	simm.s32 $0x0;
	s20 =	sshll.u32 s4, $0x1;
	s4 =	sadd.s32 s21, s2  }
0x9d: {  	[timem:s6], [sflag:s22] =	dma.local [hbm:s4], s20  }
0x9e: {  	_ =	swait.ge [sflag:s22], s20  }
0x9f: {  	s3 =	ssub.s32 $0x0, s20;
	[sflag:s22] =	ssyncset.done $0x0  }
0xa0: {  	[sflag:s22] =	ssyncadd.s32 s3;
	_ =	sdelay $0x1  }
0xa1: {  	s23 =	simm.s32 $0x1B8B  }
0xa2: {  	_ =	swait.ge [sflag:s23], $0x1  }
0xa3: {  	[sflag:s23] =	ssyncset.done $0x0  }
0xa4: {  	s25 =	simm.s32 $0x1B8E;
	s24 =	sld [smem:$0x3FFE];
	[sflag:s23] =	ssyncadd.s32 $0xFFFFFFFF  }
0xa5: {  	s26 =	simm.s32 $execute0_lowered;
	[smem:$0x3FD2] =	sst s25  }
0xa6: {  	s4 =	sshll.u32 s26, $0x1;
	_ =	strace $0x80000049;
	[dreg:$0x1] =	wrdreg $0xFFFFFFFF  }
0xa7: {  	s28 =	simm.s32 $_size_execute0_lowered;
	s2 =	sadd.s32 s2, s4;
	[dreg:$0x0] =	wrdreg $0x0  }
0xa8: {  	s4 =	sshll.u32 s28, $0x1;
	[dreg:$0x2] =	wrdreg s2  }
0xa9: {  	[dreg:$0x3] =	wrdreg s4  }
0xaa: {  	[dreg:$0x4] =	wrdreg $0xC0  }
0xab: {  	_ =	task [dreg:s6], $0x5FFFF  }
0xac: {  	[dreg:$0x1] =	wrdreg $0xFFFFFFFF  }
0xad: {  	[dreg:$0x0] =	wrdreg $0x60  }
0xae: {  	[dreg:$0x2] =	wrdreg s24  }
0xaf: {  	[dreg:$0x3] =	wrdreg $0xA9000  }
0xb0: {  	[dreg:$0x4] =	wrdreg $0x9  }
0xb1: {  	_ =	task.clear_ibuf [dreg:s6], $0x5FFFF;
	_ =	strace $0x90000049  }
0xb2: {  	s29 =	simm.s32 $0x9;
	_ =	strace $0x8000004B  }
0xb3: {  	_ =	swait.ge [sflag:s29], $0x1  }
0xb4: {  	[sflag:s29] =	ssyncadd.s32 $0xFFFFFFFF  }
0xb5: {  	_ =	strace $0x9000004B  }
0xb6: {  	_ =	sfence  }
0xb7: {  	s30 =	sld [smem:$0x0];
	_ =	sdelay $0x2  }
0xb8: {  	s31 =	sshll.u32 s1, $0xD;
	s1 =	sshrl.u32 s1, $0x2  }
0xb9: {  	s3 =	sand.u32 $0x4000, s31;
	s1 =	sadd.s32 s1, s30  }
0xba: {  	s0 =	sor.u32 s3, s0;
	s1 =	sshll.u32 s1, $0x11  }
0xbb: {  	s0 =	sor.u32 s1, s0  }
0xbc: {  	s0 =	sadd.s32 $0x8F2B, s0  }
0xbd: {  	[sflag:s0] =	ssyncadd.remote.s32 $0x1  }
0xbe: {  	_ =	sfence.sel $0xFFFF  }
0xbf: {  	[dreg:$0x0] =	wrdreg $0xFFFFFFFF;
	(pc) =	sbr.abs _section_cstart, $3  }
0xc0: {  	[dreg:$0x1] =	wrdreg $0xFFFFFFFF  }
0xc1: {  	_ =	task.clear_ibuf [dreg:s6], $0x2FFFF;
	_ =	strace $0x9FFFFFFF  }
0xc2: {  	(tm) =	ssettm $0x7FFFFFFF  }
0xc3: {  	_ =	shalt  }
tec
execute0_lowered:
.L_overlay_start_1:
0x0: {  	(tag) =	ssettag $0x1  }
0x1: {  	s5 =	rddreg [dreg:$0x0];
	s1 =	srdreg.scid  }
0x2: {  	s0 =	stileid.u32;
	s2 =	rddreg [dreg:$0x1];
	s3 =	simm.s32 $0x0  }
0x3: {  	s17 =	simm.s32 $0x80;
	s18 =	simm.s32 $0x2900;
	s19 =	simm.s32 $0x6900  }
0x4: {  	s20 =	simm.s32 $0x1;
	s21 =	simm.s32 $0x2;
	s22 =	simm.s32 $0x2800  }
0x5: {  	s23 =	simm.s32 $0x2880;
	s24 =	simm.s32 $0x0;
	s9 =	smul.u32 $0x2800, s0  }
0x6: {  	s6 =	sand.u32 $0x1, s1;
	s1 =	rddreg [dreg:$0x2];
	s14 =	smul.u32 $0x50000, s0  }
0x7: {  	s4 =	sshll.u32 s0, $0x1;
	[smem:$0x7FF] =	sst s3;
	s28 =	smul.u32 $0x5000, s0  }
0x8: {  	s12 =	sadd.s32 $0xAE000, s5;
	s31 =	sshll.u32 s0, $0x6;
	s10 =	smul.u32 $0x28000, s6  }
0x9: {  	s7 =	sor.u32 s6, s4;
	_ =	strace $0x8000004A;
	s15 =	smul.u32 $0x2800, s6  }
0xa: {  	s4 =	sadd.s32 $0x35800, s5;
	s13 =	ssub.s32 $0x2, s6;
	s8 =	smul.u32 $0x500, s7  }
0xb: {  	s11 =	sadd.s32 s9, s5;
	s26 =	sshrl.u32 s13, $0x1;
	s7 =	smul.u32 $0x2800, s7  }
0xc: {  	s14 =	sshrl.u32 s14, $0x2;
	s9 =	sadd.s32 s9, s10;
	s10 =	ssub.s32 s13, s26  }
0xd: {  	s16 =	sadd.s32 s14, s2;
	s29 =	sadd.s32 s15, s28;
	s14 =	simm.s32 $0x3  }
0xe: {  	s15 =	sor.u32 $0x1C03, s31;
	s8 =	sadd.s32 s8, s5;
	s9 =	sadd.s32 s9, s5  }
0xf: {  	s7 =	sshrl.u32 s7, $0x3;
	s13 =	sor.u32 $0x180, s29;
	s10 =	smax.u32 s10, $0x1  }
0x10: {  	s16 =	sshrl.u32 s16, $0x3;
	s5 =	sadd.s32 $0x3800, s8;
	s6 =	sadd.s32 s12, s7  }
0x11: {  	s7 =	sadd.s32 $0xD800, s11;
	s9 =	sadd.s32 $0xB8000, s9;
	s11 =	sor.u32 $0x100, s29  }
0x12: {  	s13 =	sshrl.u32 s13, $0x3;
	s8 =	sadd.s32 $0x10, s6;
	s30 =	sshrl.u32 s11, $0x3  }
0x13: {  	s11 =	sadd.s32 s13, s12;
	s13 =	simm.s32 $0x100;
	s12 =	sadd.s32 s30, s12  }
.LBB2_1:
0x14: {  	[tilespmem:s13], [sflag:$0x3] =	stream.linear.gather [hbm4b:s5+s3], $0x2800, $0x38;
	[tilespmem:$0x1E900] =	vst v63  }
0x15: {  	_ =	swait.ge [sflag:s14], $0x2800  }
0x16: {  	[sflag:s14] =	ssyncset.done $0x0  }
0x17: {  	[sflag:s14] =	ssyncadd.s32 $0xFFFFD800  }
0x18: {  	[spmem:s16], [sflag:s15] =	dma.local [hbm:s7], $0x2800  }
0x19: {  	_ =	swait.ge [sflag:s14], $0x2800  }
0x1a: {  	[sflag:s14] =	ssyncset.done $0x0  }
0x1b: {  	[sflag:s14] =	ssyncadd.s32 $0xFFFFD800  }
0x1c: {  	[bflag:$0x0] =	sbarrier.arrive $0xFFFF  }
0x1d: {  	[tilespmem:s3], [sflag:$0x3] =	stream.linear.gather [hbm4b:s6+s3], $0x80, $0x38;
	[tilespmem:$0x1E900] =	vst v63  }
0x1e: {  	_ =	swait.ge [sflag:s14], $0x80  }
0x1f: {  	[sflag:s14] =	ssyncset.done $0x0  }
0x20: {  	[sflag:s14] =	ssyncadd.s32 $0xFFFFFF80  }
0x21: {  	[tilespmem:s18], [sflag:$0x1] =	stream.indirect.gather [hbm4b:s4+s17], $0x80, s3, s17, $0xb8;
	[tilespmem:$0x1E900] =	vst v63  }
0x22: {  	_ = 	snop  }
0x23: {  	[tilespmem:s17], [sflag:$0x3] =	stream.linear.gather [hbm4b:s8+s3], $0x80, $0x38;
	[tilespmem:$0x1E900] =	vst v63  }
0x24: {  	_ =	swait.ge [sflag:s14], $0x80  }
0x25: {  	[sflag:s14] =	ssyncset.done $0x0  }
0x26: {  	[sflag:s14] =	ssyncadd.s32 $0xFFFFFF80  }
0x27: {  	[tilespmem:s19], [sflag:$0x2] =	stream.indirect.gather [hbm4b:s4+s17], $0x80, s17, s17, $0xb8;
	[tilespmem:$0x1E900] =	vst v63  }
0x28: {  	_ =	swait.ge [sflag:s20], $0x4000  }
0x29: {  	[sflag:s20] =	ssyncset.done $0x0  }
0x2a: {  	s25 =	simm.s32 $0x100;
	[sflag:s20] =	ssyncadd.s32 $0xFFFFC000  }
0x2b: {  	[spmem:s2] =	stream.indirect.scatter.add.f32 [tilespmem:s18], [sflag:$0x3], $0x80, s25, s17, $0xb8;
	[tilespmem:$0x1E900] =	vst v63  }
0x2c: {  	_ =	swait.ge [sflag:s14], $0x4000  }
0x2d: {  	[sflag:s14] =	ssyncset.done $0x0  }
0x2e: {  	s29 =	sadd.s32 $0x0, s12;
	[sflag:s14] =	ssyncadd.s32 $0xFFFFC000  }
0x2f: {  	[tilespmem:s3], [sflag:$0x3] =	stream.linear.gather [hbm4b:s29+s3], $0x80, $0x38;
	[tilespmem:$0x1E900] =	vst v63  }
0x30: {  	_ =	swait.ge [sflag:s14], $0x80  }
0x31: {  	[sflag:s14] =	ssyncset.done $0x0  }
0x32: {  	[sflag:s14] =	ssyncadd.s32 $0xFFFFFF80  }
0x33: {  	[tilespmem:s18], [sflag:$0x1] =	stream.indirect.gather [hbm4b:s4+s17], $0x80, s3, s17, $0xb8;
	[tilespmem:$0x1E900] =	vst v63  }
0x34: {  	_ =	swait.ge [sflag:s21], $0x4000  }
0x35: {  	[sflag:s21] =	ssyncset.done $0x0  }
0x36: {  	s30 =	simm.s32 $0x180;
	[sflag:s21] =	ssyncadd.s32 $0xFFFFC000  }
0x37: {  	[spmem:s2] =	stream.indirect.scatter.add.f32 [tilespmem:s19], [sflag:$0x3], $0x80, s30, s17, $0xb8;
	[tilespmem:$0x1E900] =	vst v63  }
0x38: {  	_ =	swait.ge [sflag:s14], $0x4000  }
0x39: {  	[sflag:s14] =	ssyncset.done $0x0  }
0x3a: {  	s31 =	sadd.s32 $0x0, s11;
	[sflag:s14] =	ssyncadd.s32 $0xFFFFC000  }
0x3b: {  	[tilespmem:s17], [sflag:$0x3] =	stream.linear.gather [hbm4b:s31+s3], $0x80, $0x38;
	[tilespmem:$0x1E900] =	vst v63  }
0x3c: {  	_ =	swait.ge [sflag:s14], $0x80  }
0x3d: {  	[sflag:s14] =	ssyncset.done $0x0  }
0x3e: {  	s26 =	simm.s32 $0x280;
	s25 =	simm.s32 $0x20;
	[sflag:s14] =	ssyncadd.s32 $0xFFFFFF80  }
.LBB2_2:
0x3f: {  	[tilespmem:s19], [sflag:$0x2] =	stream.indirect.gather [hbm4b:s4+s17], $0x80, s17, s17, $0xb8;
	[tilespmem:$0x1E900] =	vst v63  }
0x40: {  	s28 =	smov.u32 s25  }
0x41: {  	p0 =	sne.s32 s25, $0x4C0;
	s25 =	sadd.s32 $0x20, s25;
	_ =	swait.ge [sflag:s20], $0x4000  }
0x42: {  	[sflag:s20] =	ssyncset.done $0x0  }
0x43: {  	s29 =	sadd.s32 $0xFFFFFF80, s26;
	[sflag:s20] =	ssyncadd.s32 $0xFFFFC000  }
0x44: {  	[spmem:s2] =	stream.indirect.scatter.add.f32 [tilespmem:s18], [sflag:$0x3], $0x80, s29, s17, $0xb8;
	[tilespmem:$0x1E900] =	vst v63  }
0x45: {  	_ =	swait.ge [sflag:s14], $0x4000  }
0x46: {  	[sflag:s14] =	ssyncset.done $0x0  }
0x47: {  	s29 =	sadd.s32 s28, s12;
	[sflag:s14] =	ssyncadd.s32 $0xFFFFC000  }
0x48: {  	[tilespmem:s3], [sflag:$0x3] =	stream.linear.gather [hbm4b:s29+s3], $0x80, $0x38;
	[tilespmem:$0x1E900] =	vst v63  }
0x49: {  	_ =	swait.ge [sflag:s14], $0x80  }
0x4a: {  	[sflag:s14] =	ssyncset.done $0x0  }
0x4b: {  	[sflag:s14] =	ssyncadd.s32 $0xFFFFFF80  }
0x4c: {  	[tilespmem:s18], [sflag:$0x1] =	stream.indirect.gather [hbm4b:s4+s17], $0x80, s3, s17, $0xb8;
	[tilespmem:$0x1E900] =	vst v63  }
0x4d: {  	_ =	swait.ge [sflag:s21], $0x4000  }
0x4e: {  	[sflag:s21] =	ssyncset.done $0x0  }
0x4f: {  	[sflag:s21] =	ssyncadd.s32 $0xFFFFC000  }
0x50: {  	[spmem:s2] =	stream.indirect.scatter.add.f32 [tilespmem:s19], [sflag:$0x3], $0x80, s26, s17, $0xb8;
	[tilespmem:$0x1E900] =	vst v63  }
0x51: {  	_ =	swait.ge [sflag:s14], $0x4000  }
0x52: {  	[sflag:s14] =	ssyncset.done $0x0  }
.Ltmp0:
0x53: {  	s28 =	sadd.s32 s28, s11;
	[sflag:s14] =	ssyncadd.s32 $0xFFFFC000;
	(pc) =	sbr.rel @p0 .LBB2_2-.Ltmp0, $4  }
0x54: {  	[tilespmem:s17], [sflag:$0x3] =	stream.linear.gather [hbm4b:s28+s3], $0x80, $0x38;
	[tilespmem:$0x1E900] =	vst v63  }
0x55: {  	_ =	swait.ge [sflag:s14], $0x80  }
0x56: {  	[sflag:s14] =	ssyncset.done $0x0  }
0x57: {  	s26 =	sadd.s32 $0x100, s26;
	[sflag:s14] =	ssyncadd.s32 $0xFFFFFF80  }
0x58: {  	[tilespmem:s19], [sflag:$0x2] =	stream.indirect.gather [hbm4b:s4+s17], $0x80, s17, s17, $0xb8;
	[tilespmem:$0x1E900] =	vst v63  }
0x59: {  	_ =	swait.ge [sflag:s20], $0x4000  }
0x5a: {  	[sflag:s20] =	ssyncset.done $0x0  }
0x5b: {  	[sflag:s20] =	ssyncadd.s32 $0xFFFFC000  }
0x5c: {  	[spmem:s2] =	stream.indirect.scatter.add.f32 [tilespmem:s18], [sflag:$0x3], $0x80, s22, s17, $0xb8;
	[tilespmem:$0x1E900] =	vst v63  }
0x5d: {  	_ =	swait.ge [sflag:s14], $0x4000  }
0x5e: {  	[sflag:s14] =	ssyncset.done $0x0  }
0x5f: {  	[sflag:s14] =	ssyncadd.s32 $0xFFFFC000  }
0x60: {  	_ =	swait.ge [sflag:s21], $0x4000  }
0x61: {  	[sflag:s21] =	ssyncset.done $0x0  }
0x62: {  	[sflag:s21] =	ssyncadd.s32 $0xFFFFC000  }
0x63: {  	[spmem:s2] =	stream.indirect.scatter.add.f32 [tilespmem:s19], [sflag:$0x3], $0x80, s23, s17, $0xb8;
	[tilespmem:$0x1E900] =	vst v63  }
0x64: {  	_ =	swait.ge [sflag:s14], $0x4000  }
0x65: {  	s24 =	sadd.s32 $0x1, s24;
	[sflag:s14] =	ssyncset.done $0x0  }
0x66: {  	p0 =	sne.s32 s24, s10;
	[sflag:s14] =	ssyncadd.s32 $0xFFFFC000  }
.Ltmp1:
0x67: {  	[bflag:$0x0] =	sbarrier.arrive $0xFFFF;
	(pc) =	sbr.rel @p0 .LBB2_1-.Ltmp1, $4  }
0x68: {  	[hbm:s9], [sflag:s15] =	dma.local [spmem:s16], $0x2800  }
0x69: {  	_ =	swait.ge [sflag:s14], $0x2800  }
0x6a: {  	[sflag:s14] =	ssyncset.done $0x0  }
0x6b: {  	[sflag:s14] =	ssyncadd.s32 $0xFFFFD800  }
0x6c: {  	_ =	sfence.sel $0x180000  }
0x6d: {  	[bflag:$0x0] =	sbarrier.arrive $0xFFFF  }
0x6e: {  	p0 =	sne.s32 s0, $0x0;
	_ =	strace $0x9000004A  }
0x6f: {  	s0 =	sadd.s32 @!p0 $0x100000, s1;
	[bflag:$0x2] =	sbarrier.arrive $0xFFFF  }
0x70: {  	[sflag:s0] =	ssyncadd.tile.s32 @!p0 $0x1;
	_ =	shalt  }
.Lfunc_end2:
_tile_overlayer_lowered:
.L_overlay_start_2:
0x71: {  	(tag) =	ssettag $0x2  }
0x72: {  	s0 =	rddreg [dreg:$0x0];
	s2 =	stileid.u32  }
0x73: {  	s1 =	rddreg [dreg:$0x1];
	p0 =	sne.s32 s2, $0x0  }
0x74: {  	s3 =	rddreg [dreg:$0x2];
	[bflag:$0x3] =	sbarrier.arrive $0xFFFF;
	s2 =	simm.s32 @!p0 $0x1C03  }
0x75: {  	[timem:s3], [sflag:s2] =	dma.local @!p0 [hbm:s0], s1  }
0x76: {  	s0 =	simm.s32 @!p0 $0x3  }
0x77: {  	_ =	swait.ge @!p0 [sflag:s0], s1  }
0x78: {  	s1 =	ssub.s32 @!p0 $0x0, s1;
	[sflag:s0] =	ssyncset.done @!p0 $0x0  }
0x79: {  	[sflag:s0] =	ssyncadd.s32 @!p0 s1  }
0x7a: {  	[bflag:$0x3] =	sbarrier.arrive $0xFFFF  }
0x7b: {  	_ =	shalt  }

// kernel: kernel.15.cloned.1.call-start
scs
__scs_entry_jumppad:
0x0: {  	(pc) =	sbr.rel $0x88, $3  }
0x1: {  	(tag) =	ssettag $0x0;
	lr =	simm.s32 $0x1  }
0x2: {  	[smem:$0x3F95] =	sst lr;
	_ =	strace $0xD0000000  }
0x3: {  	_ = 	snop  }
0x4: {  	_ = 	snop  }
0x5: {  	_ = 	snop  }
0x6: {  	_ = 	snop  }
0x7: {  	_ = 	snop  }
__scs_overlays_trampoline_lowered:
0x8: {  	[smem:$0x3FA4] =	sst s0  }
0x9: {  	[smem:$0x3FA5] =	sst s1  }
0xa: {  	[smem:$0x3FA6] =	sst s2  }
0xb: {  	[smem:$0x3FA7] =	sst s3  }
0xc: {  	[smem:$0x3FA8] =	sst s4  }
0xd: {  	[smem:$0x3FA9] =	sst s5  }
0xe: {  	[smem:$0x3FAA] =	sst s6  }
0xf: {  	[smem:$0x3FAB] =	sst s7  }
0x10: {  	[smem:$0x3FAC] =	sst s8  }
0x11: {  	[smem:$0x3FAD] =	sst s9;
	s0 =	simm.s32 @!p0 $0x0  }
0x12: {  	s1 =	sld [smem:$0x3F93];
	s0 =	simm.s32 @p0 $0x1  }
0x13: {  	[smem:$0x3FAE] =	sst s0;
	s0 =	simm.s32 @!p1 $0x0  }
0x14: {  	s2 =	sld [smem:$0x3F92];
	s0 =	simm.s32 @p1 $0x1  }
0x15: {  	[smem:$0x3FAF] =	sst s0;
	s0 =	simm.s32 @!p2 $0x0  }
0x16: {  	s3 =	sld [smem:$0x3FDB];
	s0 =	simm.s32 @p2 $0x1  }
0x17: {  	s4 =	simm.s32 $0x1BF5;
	[smem:$0x3FB1] =	sst s0  }
0x18: {  	s0 =	sld [smem:$0x3F94];
	_ =	swait.ge [sflag:s4], $0x0  }
0x19: {  	s7 =	sld [smem:$0x3F95]  }
0x1a: {  	s8 =	sadd.s32 $0xFFFFE003, lr  }
0x1b: {  	s9 =	sadd.s32 $0xFFFFFEF7, lr;
	s5 =	simm.s32 $0xFFFFFFFF;
	p2 =	slt.u32 s8, $0xFFFFF086  }
0x1c: {  	p1 =	slt.u32 s9, $0xF7A;
	s5 =	simm.s32 @!p2 $0x0  }
0x1d: {  	s5 =	simm.s32 @p1 $0x1;
	p0 =	seq.s32 s7, s2  }
0x1e: {  	s7 =	smul.u32 @!p0 $0xF7A, s2;
	p2 =	seq.s32 @!p0 s5, $0x0  }
0x1f: {  	s9 =	smul.u32 $0xF7A, s1;
	s8 =	simm.s32 @!p0 $0x1BF5;
	p2 =	por !p2, p0  }
0x20: {  	[sflag:s8] =	ssyncset.s32 @!p0 $0xFFFFF086;
	s6 =	sadd.s32 @!p0 s3, s7;
	s7 =	simm.s32 @!p0 $0x108  }
0x21: {  	s3 =	sadd.s32 s3, s9;
	s6 =	sadd.s32 @!p0 $0x88, s6;
	s7 =	simm.s32 @p2 $0x1082  }
0x22: {  	[simem:s7], [sflag:s8] =	dma.local @!p0 [hbm:s6], $0xF7A  }
0x23: {  	s9 =	sor.u32 $0xD0000000, s2;
	s6 =	simm.s32 $0x108;
	_ =	swait.ge @!p0 [sflag:s8], $0x0  }
0x24: {  	s3 =	sadd.s32 $0x88, s3;
	s6 =	simm.s32 @!p1 $0x1082;
	[sflag:s4] =	ssyncset.s32 $0xFFFFF086  }
0x25: {  	[simem:s6], [sflag:s4] =	dma.local [hbm:s3], $0xF7A  }
0x26: {  	[smem:$0x3F95] =	sst s1;
	(tag) =	ssettag s2;
	_ =	strace s9  }
0x27: {  	s1 =	sld [smem:$0x3FA5]  }
0x28: {  	s2 =	sld [smem:$0x3FA6]  }
0x29: {  	s4 =	sld [smem:$0x3FA8]  }
0x2a: {  	p0 =	seq.s32 s5, $0x0;
	s5 =	sld [smem:$0x3FA9]  }
0x2b: {  	s6 =	sld [smem:$0x3FAA]  }
0x2c: {  	s7 =	sld [smem:$0x3FAB]  }
0x2d: {  	s3 =	simm.s32 $0x108;
	s8 =	sld [smem:$0x3FAC]  }
0x2e: {  	s3 =	simm.s32 @!p0 $0x1082;
	s9 =	sld [smem:$0x3FAD]  }
0x2f: {  	lr =	sadd.s32 s0, s3;
	s0 =	sld [smem:$0x3FA4]  }
0x30: {  	s3 =	sld [smem:$0x3FA7]  }
0x31: {  	[smem:$0x3FB0] =	sst s10  }
0x32: {  	s10 =	sld [smem:$0x3FAE];
	_ =	sdelay $0x3  }
0x33: {  	p0 =	seq.s32 s10, $0x1;
	s10 =	sld [smem:$0x3FB0];
	_ =	sdelay $0x3  }
0x34: {  	[smem:$0x3FB0] =	sst s10  }
0x35: {  	s10 =	sld [smem:$0x3FAF];
	_ =	sdelay $0x3  }
0x36: {  	p1 =	seq.s32 s10, $0x1;
	s10 =	sld [smem:$0x3FB0];
	_ =	sdelay $0x3  }
0x37: {  	[smem:$0x3FB0] =	sst s10  }
0x38: {  	s10 =	sld [smem:$0x3FB1]  }
0x39: {  	_ = 	snop;
	(pc) =	sbr.ind lr, $3  }
0x3a: {  	_ = 	snop  }
0x3b: {  	_ = 	snop  }
0x3c: {  	p2 =	seq.s32 s10, $0x1;
	s10 =	sld [smem:$0x3FB0]  }
0x3d: {  	_ =	shalt  }
0x3e: {  	_ =	shalt  }
0x3f: {  	_ =	shalt  }
0x40: {  	_ =	shalt  }
0x41: {  	_ =	shalt  }
0x42: {  	_ =	shalt  }
0x43: {  	_ =	shalt  }
0x44: {  	_ =	shalt  }
0x45: {  	_ =	shalt  }
0x46: {  	_ =	shalt  }
0x47: {  	_ =	shalt  }
0x48: {  	_ =	shalt  }
0x49: {  	_ =	shalt  }
0x4a: {  	_ =	shalt  }
0x4b: {  	_ =	shalt  }
0x4c: {  	_ =	shalt  }
0x4d: {  	_ =	shalt  }
0x4e: {  	_ =	shalt  }
0x4f: {  	_ =	shalt  }
0x50: {  	_ =	shalt  }
0x51: {  	_ =	shalt  }
0x52: {  	_ =	shalt  }
0x53: {  	_ =	shalt  }
0x54: {  	_ =	shalt  }
0x55: {  	_ =	shalt  }
0x56: {  	_ =	shalt  }
0x57: {  	_ =	shalt  }
0x58: {  	_ =	shalt  }
0x59: {  	_ =	shalt  }
0x5a: {  	_ =	shalt  }
0x5b: {  	_ =	shalt  }
0x5c: {  	_ =	shalt  }
0x5d: {  	_ =	shalt  }
0x5e: {  	_ =	shalt  }
0x5f: {  	_ =	shalt  }
0x60: {  	_ =	shalt  }
0x61: {  	_ =	shalt  }
0x62: {  	_ =	shalt  }
0x63: {  	_ =	shalt  }
0x64: {  	_ =	shalt  }
0x65: {  	_ =	shalt  }
0x66: {  	_ =	shalt  }
0x67: {  	_ =	shalt  }
0x68: {  	_ =	shalt  }
0x69: {  	_ =	shalt  }
0x6a: {  	_ =	shalt  }
0x6b: {  	_ =	shalt  }
0x6c: {  	_ =	shalt  }
0x6d: {  	_ =	shalt  }
0x6e: {  	_ =	shalt  }
0x6f: {  	_ =	shalt  }
0x70: {  	_ =	shalt  }
0x71: {  	_ =	shalt  }
0x72: {  	_ =	shalt  }
0x73: {  	_ =	shalt  }
0x74: {  	_ =	shalt  }
0x75: {  	_ =	shalt  }
0x76: {  	_ =	shalt  }
0x77: {  	_ =	shalt  }
0x78: {  	_ =	shalt  }
0x79: {  	_ =	shalt  }
0x7a: {  	_ =	shalt  }
0x7b: {  	_ =	shalt  }
0x7c: {  	_ =	shalt  }
0x7d: {  	_ =	shalt  }
0x7e: {  	_ =	shalt  }
0x7f: {  	_ =	shalt  }
0x80: {  	_ =	shalt  }
0x81: {  	_ =	shalt  }
0x82: {  	_ =	shalt  }
0x83: {  	_ =	shalt  }
0x84: {  	_ =	shalt  }
0x85: {  	_ =	shalt  }
0x86: {  	_ =	shalt  }
0x87: {  	_ =	shalt  }
.Lfunc_end0:
.L_simem_size_0:
called_computation.2_lowered:
.L_overlay_start_0:
0x88: {  	s2 =	sld [smem:$0x3FD9]  }
0x89: {  	s3 =	sld [smem:$0x3FFE];
	_ =	sdelay $0x1  }
0x8a: {  	s1 =	srdreg.scid  }
0x8b: {  	s0 =	sand.u32 $0x1, s1  }
0x8c: {  	s16 =	sshll.u32 s0, $0xA;
	s2 =	sadd.s32 s3, s2  }
0x8d: {  	s2 =	sadd.s32 s2, s16  }
0x8e: {  	[smem:$0x3FBC] =	sst s2  }
0x8f: {  	_ = 	snop  }
0x90: {  	(tm) =	ssettm $0x1  }
0x91: {  	s17 =	sld [smem:$0x3FFB];
	_ =	sdelay $0x3  }
0x92: {  	_ =	strace s17  }
0x93: {  	s2 =	sld [smem:$0x3FFC];
	_ =	sdelay $0x3  }
0x94: {  	_ =	strace s2  }
0x95: {  	s2 =	sld [smem:$0x3FFD];
	_ =	sdelay $0x3  }
0x96: {  	_ =	strace s2  }
0x97: {  	_ =	strace $0x8FFFFFFF  }
0x98: {  	s18 =	sld [smem:$0x3FDB];
	_ =	sdelay $0x1  }
0x99: {  	s19 =	simm.s32 $_scs_section_size  }
0x9a: {  	s4 =	simm.s32 $_size__tile_overlayer_lowered;
	s5 =	simm.s32 $_tile_overlayer_lowered  }
0x9b: {  	s22 =	simm.s32 $0x1BFF;
	s21 =	sshll.u32 s5, $0x1;
	s2 =	sadd.s32 s19, s18  }
0x9c: {  	s6 =	simm.s32 $0x0;
	s20 =	sshll.u32 s4, $0x1;
	s4 =	sadd.s32 s21, s2  }
0x9d: {  	[timem:s6], [sflag:s22] =	dma.local [hbm:s4], s20  }
0x9e: {  	_ =	swait.ge [sflag:s22], s20  }
0x9f: {  	s3 =	ssub.s32 $0x0, s20;
	[sflag:s22] =	ssyncset.done $0x0  }
0xa0: {  	[sflag:s22] =	ssyncadd.s32 s3;
	_ =	sdelay $0x1  }
0xa1: {  	s23 =	simm.s32 $0x1B8B  }
0xa2: {  	_ =	swait.ge [sflag:s23], $0x1  }
0xa3: {  	[sflag:s23] =	ssyncset.done $0x0  }
0xa4: {  	s25 =	simm.s32 $0x1B8E;
	s24 =	sld [smem:$0x3FFE];
	[sflag:s23] =	ssyncadd.s32 $0xFFFFFFFF  }
0xa5: {  	s26 =	simm.s32 $execute0_lowered;
	[smem:$0x3FD2] =	sst s25  }
0xa6: {  	s4 =	sshll.u32 s26, $0x1;
	_ =	strace $0x8000004C;
	[dreg:$0x1] =	wrdreg $0xFFFFFFFF  }
0xa7: {  	s28 =	simm.s32 $_size_execute0_lowered;
	s2 =	sadd.s32 s2, s4;
	[dreg:$0x0] =	wrdreg $0x0  }
0xa8: {  	s4 =	sshll.u32 s28, $0x1;
	[dreg:$0x2] =	wrdreg s2  }
0xa9: {  	[dreg:$0x3] =	wrdreg s4  }
0xaa: {  	[dreg:$0x4] =	wrdreg $0xC0  }
0xab: {  	_ =	task [dreg:s6], $0x5FFFF  }
0xac: {  	[dreg:$0x1] =	wrdreg $0xFFFFFFFF  }
0xad: {  	[dreg:$0x0] =	wrdreg $0x60  }
0xae: {  	[dreg:$0x2] =	wrdreg s24  }
0xaf: {  	[dreg:$0x3] =	wrdreg $0xA9800  }
0xb0: {  	[dreg:$0x4] =	wrdreg $0x9  }
0xb1: {  	_ =	task.clear_ibuf [dreg:s6], $0x5FFFF;
	_ =	strace $0x9000004C  }
0xb2: {  	s29 =	simm.s32 $0x9;
	_ =	strace $0x8000004E  }
0xb3: {  	_ =	swait.ge [sflag:s29], $0x1  }
0xb4: {  	[sflag:s29] =	ssyncadd.s32 $0xFFFFFFFF  }
0xb5: {  	_ =	strace $0x9000004E  }
0xb6: {  	_ =	sfence  }
0xb7: {  	s30 =	sld [smem:$0x0];
	_ =	sdelay $0x2  }
0xb8: {  	s31 =	sshll.u32 s1, $0xD;
	s1 =	sshrl.u32 s1, $0x2  }
0xb9: {  	s3 =	sand.u32 $0x4000, s31;
	s1 =	sadd.s32 s1, s30  }
0xba: {  	s0 =	sor.u32 s3, s0;
	s1 =	sshll.u32 s1, $0x11  }
0xbb: {  	s0 =	sor.u32 s1, s0  }
0xbc: {  	s0 =	sadd.s32 $0x8F2B, s0  }
0xbd: {  	[sflag:s0] =	ssyncadd.remote.s32 $0x1  }
0xbe: {  	_ =	sfence.sel $0xFFFF  }
0xbf: {  	[dreg:$0x0] =	wrdreg $0xFFFFFFFF;
	(pc) =	sbr.abs _section_cstart, $3  }
0xc0: {  	[dreg:$0x1] =	wrdreg $0xFFFFFFFF  }
0xc1: {  	_ =	task.clear_ibuf [dreg:s6], $0x2FFFF;
	_ =	strace $0x9FFFFFFF  }
0xc2: {  	(tm) =	ssettm $0x7FFFFFFF  }
0xc3: {  	_ =	shalt  }
tec
execute0_lowered:
.L_overlay_start_1:
0x0: {  	(tag) =	ssettag $0x1  }
0x1: {  	s0 =	srdreg.scid  }
0x2: {  	s25 =	stileid.u32;
	s1 =	rddreg [dreg:$0x0]  }
0x3: {  	s2 =	rddreg [dreg:$0x1];
	s30 =	simm.s32 $0x3;
	s31 =	simm.s32 $0x80  }
0x4: {  	s29 =	simm.s32 $0x1;
	s0 =	sand.u32 $0x1, s0;
	s3 =	sshll.u32 s25, $0x1  }
0x5: {  	s7 =	smul.u32 $0x2800, s25;
	s4 =	sadd.s32 $0x35800, s1;
	s9 =	sadd.s32 $0xAE000, s1  }
0x6: {  	s12 =	sadd.s32 $0x85C00, s1;
	s14 =	smul.u32 $0x50000, s25;
	s26 =	sshll.u32 s25, $0x9  }
0x7: {  	s17 =	sshll.u32 s25, $0xD;
	s22 =	smul.u32 $0x5000, s25;
	s5 =	sor.u32 s0, s3  }
0x8: {  	s3 =	simm.s32 $0x0;
	s8 =	smul.u32 $0x28000, s0;
	s24 =	sshll.u32 s0, $0x11  }
0x9: {  	s11 =	ssub.s32 $0x2, s0;
	s20 =	sor.u32 $0x80, s26;
	s0 =	smul.u32 $0x2800, s0  }
0xa: {  	s21 =	sor.u32 $0x100, s26;
	s23 =	sor.u32 $0x180, s26;
	s6 =	smul.u32 $0x500, s5  }
0xb: {  	[smem:$0x7FF] =	sst s3;
	s10 =	sadd.s32 s7, s1;
	s13 =	sshrl.u32 s11, $0x1  }
0xc: {  	s16 =	sshll.u32 s5, $0x8;
	s18 =	sshll.u32 s20, $0x4;
	s19 =	sshll.u32 s21, $0x4  }
0xd: {  	s26 =	sshll.u32 s5, $0xC;
	_ =	strace $0x8000004D;
	s7 =	sadd.s32 s7, s8  }
0xe: {  	s8 =	sadd.s32 s24, s1;
	s15 =	ssub.s32 s11, s13;
	s13 =	smul.u32 $0x2800, s5  }
0xf: {  	s24 =	sshll.u32 s23, $0x4;
	s0 =	sadd.s32 s0, s22;
	s8 =	sadd.s32 $0x108000, s8  }
0x10: {  	s22 =	sshrl.u32 s14, $0x2;
	s14 =	sadd.s32 $0x5D800, s1;
	s17 =	sadd.s32 s17, s8  }
0x11: {  	s6 =	sadd.s32 s6, s1;
	s18 =	sadd.s32 s18, s8;
	[dreg:$0x3] =	wrdreg s17  }
0x12: {  	s7 =	sadd.s32 s7, s1;
	[dreg:$0x4] =	wrdreg s18;
	s17 =	sadd.s32 s19, s8  }
0x13: {  	s8 =	sadd.s32 s24, s8;
	s24 =	sor.u32 $0x80, s16;
	s18 =	sor.u32 $0x180, s0  }
0x14: {  	s0 =	sor.u32 $0x100, s0;
	s19 =	sshrl.u32 s13, $0x3;
	[dreg:$0x5] =	wrdreg s17  }
0x15: {  	s16 =	sshrl.u32 s21, $0x3;
	[dreg:$0x6] =	wrdreg s8;
	s8 =	sadd.s32 s12, s26  }
0x16: {  	s17 =	sshll.u32 s24, $0x4;
	s0 =	sshrl.u32 s0, $0x3;
	s11 =	sadd.s32 s9, s19  }
0x17: {  	s26 =	sadd.s32 $0x3800, s6;
	s6 =	sadd.s32 s22, s2;
	[dreg:$0x7] =	wrdreg s8  }
0x18: {  	s8 =	sadd.s32 s12, s17;
	s13 =	sadd.s32 s0, s9;
	[dreg:$0x9] =	wrdreg s26  }
0x19: {  	s0 =	sadd.s32 $0x85800, s1;
	[dreg:$0xa] =	wrdreg s6;
	s17 =	sshrl.u32 s23, $0x3  }
0x1a: {  	s26 =	sshrl.u32 s24, $0x3;
	s23 =	sshll.u32 s25, $0x6;
	s28 =	sadd.s32 $0x10, s11  }
0x1b: {  	s1 =	simm.s32 $0x2900;
	s6 =	simm.s32 $0xA900;
	[dreg:$0x8] =	wrdreg s8  }
0x1c: {  	s8 =	sshrl.u32 s18, $0x3;
	s18 =	sadd.s32 $0xB8000, s7;
	s22 =	sadd.s32 s0, s16  }
0x1d: {  	s24 =	sadd.s32 s0, s17;
	s25 =	sadd.s32 s0, s26;
	s26 =	sadd.s32 s0, s23  }
0x1e: {  	s17 =	smov.u32 s11;
	s7 =	simm.s32 $0x0;
	s12 =	sadd.s32 s8, s9  }
0x1f: {  	s8 =	sadd.s32 $0xD800, s10;
	s9 =	sshll.u32 s5, $0x5;
	s10 =	sshrl.u32 s20, $0x3  }
0x20: {  	s20 =	smax.u32 s15, $0x1;
	s5 =	simm.s32 $0x2;
	[dreg:$0xb] =	wrdreg s8  }
0x21: {  	s19 =	sadd.s32 s0, s9;
	s21 =	sadd.s32 s0, s10;
	s0 =	simm.s32 $0x6900  }
.LBB2_1:
0x22: {  	s8 =	rddreg [dreg:$0x9];
	s9 =	simm.s32 $0x100  }
0x23: {  	[tilespmem:s9], [sflag:$0x3] =	stream.linear.gather [hbm4b:s8+s3], $0x2800, $0x38;
	[tilespmem:$0x1E980] =	vst v63  }
0x24: {  	_ =	swait.ge [sflag:s30], $0x2800  }
0x25: {  	s8 =	sor.u32 $0x1C03, s23;
	[sflag:s30] =	ssyncset.done $0x0;
	s15 =	rddreg [dreg:$0xa]  }
0x26: {  	s10 =	rddreg [dreg:$0xb];
	[sflag:s30] =	ssyncadd.s32 $0xFFFFD800;
	s9 =	sshrl.u32 s15, $0x3  }
0x27: {  	[spmem:s9], [sflag:s8] =	dma.local [hbm:s10], $0x2800  }
0x28: {  	_ =	swait.ge [sflag:s30], $0x2800  }
0x29: {  	[sflag:s30] =	ssyncset.done $0x0  }
0x2a: {  	[sflag:s30] =	ssyncadd.s32 $0xFFFFD800  }
0x2b: {  	[bflag:$0x0] =	sbarrier.arrive $0xFFFF  }
0x2c: {  	[tilespmem:s3], [sflag:$0x3] =	stream.linear.gather [hbm4b:s17+s3], $0x80, $0x38;
	[tilespmem:$0x1E980] =	vst v63  }
0x2d: {  	_ =	swait.ge [sflag:s30], $0x80  }
0x2e: {  	[sflag:s30] =	ssyncset.done $0x0  }
0x2f: {  	[sflag:s30] =	ssyncadd.s32 $0xFFFFFF80  }
0x30: {  	[tilespmem:s1], [sflag:$0x1] =	stream.indirect.gather [hbm4b:s4+s31], $0x80, s3, s31, $0xb8;
	[tilespmem:$0x1E980] =	vst v63  }
0x31: {  	_ = 	snop  }
0x32: {  	[tilespmem:s31], [sflag:$0x3] =	stream.linear.gather [hbm4b:s28+s3], $0x80, $0x38;
	[tilespmem:$0x1E980] =	vst v63  }
0x33: {  	_ =	swait.ge [sflag:s30], $0x80  }
0x34: {  	[sflag:s30] =	ssyncset.done $0x0  }
0x35: {  	[sflag:s30] =	ssyncadd.s32 $0xFFFFFF80  }
0x36: {  	[tilespmem:s0], [sflag:$0x2] =	stream.indirect.gather [hbm4b:s4+s31], $0x80, s31, s31, $0xb8;
	[tilespmem:$0x1E980] =	vst v63  }
0x37: {  	_ =	swait.ge [sflag:s29], $0x4000  }
0x38: {  	[sflag:s29] =	ssyncset.done $0x0  }
0x39: {  	s16 =	simm.s32 $0x100;
	[sflag:s29] =	ssyncadd.s32 $0xFFFFC000  }
0x3a: {  	[spmem:s2] =	stream.indirect.scatter.add.f32 [tilespmem:s1], [sflag:$0x3], $0x80, s16, s31, $0xb8;
	[tilespmem:$0x1E980] =	vst v63  }
0x3b: {  	_ =	swait.ge [sflag:s30], $0x4000  }
0x3c: {  	[sflag:s30] =	ssyncset.done $0x0  }
0x3d: {  	s11 =	sadd.s32 $0x0, s13;
	[sflag:s30] =	ssyncadd.s32 $0xFFFFC000  }
0x3e: {  	[tilespmem:s3], [sflag:$0x3] =	stream.linear.gather [hbm4b:s11+s3], $0x80, $0x38;
	[tilespmem:$0x1E980] =	vst v63  }
0x3f: {  	_ =	swait.ge [sflag:s30], $0x80  }
0x40: {  	[sflag:s30] =	ssyncset.done $0x0  }
0x41: {  	[sflag:s30] =	ssyncadd.s32 $0xFFFFFF80  }
0x42: {  	[tilespmem:s1], [sflag:$0x1] =	stream.indirect.gather [hbm4b:s4+s31], $0x80, s3, s31, $0xb8;
	[tilespmem:$0x1E980] =	vst v63  }
0x43: {  	_ =	swait.ge [sflag:s5], $0x4000  }
0x44: {  	[sflag:s5] =	ssyncset.done $0x0  }
0x45: {  	s15 =	simm.s32 $0x180;
	[sflag:s5] =	ssyncadd.s32 $0xFFFFC000  }
0x46: {  	[spmem:s2] =	stream.indirect.scatter.add.f32 [tilespmem:s0], [sflag:$0x3], $0x80, s15, s31, $0xb8;
	[tilespmem:$0x1E980] =	vst v63  }
0x47: {  	_ =	swait.ge [sflag:s30], $0x4000  }
0x48: {  	[sflag:s30] =	ssyncset.done $0x0  }
0x49: {  	s16 =	sadd.s32 $0x0, s12;
	[sflag:s30] =	ssyncadd.s32 $0xFFFFC000  }
0x4a: {  	[tilespmem:s31], [sflag:$0x3] =	stream.linear.gather [hbm4b:s16+s3], $0x80, $0x38;
	[tilespmem:$0x1E980] =	vst v63  }
0x4b: {  	_ =	swait.ge [sflag:s30], $0x80  }
0x4c: {  	[sflag:s30] =	ssyncset.done $0x0  }
0x4d: {  	s10 =	simm.s32 $0x20;
	s15 =	simm.s32 $0x280;
	[sflag:s30] =	ssyncadd.s32 $0xFFFFFF80  }
.LBB2_2:
0x4e: {  	[tilespmem:s0], [sflag:$0x2] =	stream.indirect.gather [hbm4b:s4+s31], $0x80, s31, s31, $0xb8;
	[tilespmem:$0x1E980] =	vst v63  }
0x4f: {  	s11 =	smov.u32 s10  }
0x50: {  	p0 =	sne.s32 s10, $0x4C0;
	s10 =	sadd.s32 $0x20, s10;
	_ =	swait.ge [sflag:s29], $0x4000  }
0x51: {  	[sflag:s29] =	ssyncset.done $0x0  }
0x52: {  	s16 =	sadd.s32 $0xFFFFFF80, s15;
	[sflag:s29] =	ssyncadd.s32 $0xFFFFC000  }
0x53: {  	[spmem:s2] =	stream.indirect.scatter.add.f32 [tilespmem:s1], [sflag:$0x3], $0x80, s16, s31, $0xb8;
	[tilespmem:$0x1E980] =	vst v63  }
0x54: {  	_ =	swait.ge [sflag:s30], $0x4000  }
0x55: {  	[sflag:s30] =	ssyncset.done $0x0  }
0x56: {  	s16 =	sadd.s32 s11, s13;
	[sflag:s30] =	ssyncadd.s32 $0xFFFFC000  }
0x57: {  	[tilespmem:s3], [sflag:$0x3] =	stream.linear.gather [hbm4b:s16+s3], $0x80, $0x38;
	[tilespmem:$0x1E980] =	vst v63  }
0x58: {  	_ =	swait.ge [sflag:s30], $0x80  }
0x59: {  	[sflag:s30] =	ssyncset.done $0x0  }
0x5a: {  	[sflag:s30] =	ssyncadd.s32 $0xFFFFFF80  }
0x5b: {  	[tilespmem:s1], [sflag:$0x1] =	stream.indirect.gather [hbm4b:s4+s31], $0x80, s3, s31, $0xb8;
	[tilespmem:$0x1E980] =	vst v63  }
0x5c: {  	_ =	swait.ge [sflag:s5], $0x4000  }
0x5d: {  	[sflag:s5] =	ssyncset.done $0x0  }
0x5e: {  	[sflag:s5] =	ssyncadd.s32 $0xFFFFC000  }
0x5f: {  	[spmem:s2] =	stream.indirect.scatter.add.f32 [tilespmem:s0], [sflag:$0x3], $0x80, s15, s31, $0xb8;
	[tilespmem:$0x1E980] =	vst v63  }
0x60: {  	_ =	swait.ge [sflag:s30], $0x4000  }
0x61: {  	[sflag:s30] =	ssyncset.done $0x0  }
.Ltmp0:
0x62: {  	s11 =	sadd.s32 s11, s12;
	[sflag:s30] =	ssyncadd.s32 $0xFFFFC000;
	(pc) =	sbr.rel @p0 .LBB2_2-.Ltmp0, $4  }
0x63: {  	[tilespmem:s31], [sflag:$0x3] =	stream.linear.gather [hbm4b:s11+s3], $0x80, $0x38;
	[tilespmem:$0x1E980] =	vst v63  }
0x64: {  	_ =	swait.ge [sflag:s30], $0x80  }
0x65: {  	[sflag:s30] =	ssyncset.done $0x0  }
0x66: {  	s15 =	sadd.s32 $0x100, s15;
	[sflag:s30] =	ssyncadd.s32 $0xFFFFFF80  }
0x67: {  	[tilespmem:s0], [sflag:$0x2] =	stream.indirect.gather [hbm4b:s4+s31], $0x80, s31, s31, $0xb8;
	[tilespmem:$0x1E980] =	vst v63  }
0x68: {  	_ =	swait.ge [sflag:s29], $0x4000  }
0x69: {  	[sflag:s29] =	ssyncset.done $0x0  }
0x6a: {  	s10 =	simm.s32 $0x2800;
	[sflag:s29] =	ssyncadd.s32 $0xFFFFC000  }
0x6b: {  	[spmem:s2] =	stream.indirect.scatter.add.f32 [tilespmem:s1], [sflag:$0x3], $0x80, s10, s31, $0xb8;
	[tilespmem:$0x1E980] =	vst v63  }
0x6c: {  	_ =	swait.ge [sflag:s30], $0x4000  }
0x6d: {  	[sflag:s30] =	ssyncset.done $0x0  }
0x6e: {  	[sflag:s30] =	ssyncadd.s32 $0xFFFFC000  }
0x6f: {  	_ =	swait.ge [sflag:s5], $0x4000  }
0x70: {  	[sflag:s5] =	ssyncset.done $0x0  }
0x71: {  	s15 =	simm.s32 $0x2880;
	[sflag:s5] =	ssyncadd.s32 $0xFFFFC000  }
0x72: {  	[spmem:s2] =	stream.indirect.scatter.add.f32 [tilespmem:s0], [sflag:$0x3], $0x80, s15, s31, $0xb8;
	[tilespmem:$0x1E980] =	vst v63  }
0x73: {  	_ =	swait.ge [sflag:s30], $0x4000  }
0x74: {  	[sflag:s30] =	ssyncset.done $0x0  }
0x75: {  	[sflag:s30] =	ssyncadd.s32 $0xFFFFC000  }
0x76: {  	[bflag:$0x0] =	sbarrier.arrive $0xFFFF  }
0x77: {  	[hbm:s18], [sflag:s8] =	dma.local [spmem:s9], $0x2800  }
0x78: {  	_ =	swait.ge [sflag:s30], $0x2800  }
0x79: {  	[sflag:s30] =	ssyncset.done $0x0  }
0x7a: {  	[sflag:s30] =	ssyncadd.s32 $0xFFFFD800  }
0x7b: {  	[bflag:$0x0] =	sbarrier.arrive $0xFFFF  }
0x7c: {  	[tilespmem:s6], [sflag:$0x3] =	stream.linear.gather [hbm4b:s26+s3], $0x80, $0x38;
	[tilespmem:$0x1E980] =	vst v63  }
0x7d: {  	_ =	swait.ge [sflag:s30], $0x80  }
0x7e: {  	[sflag:s30] =	ssyncset.done $0x0  }
0x7f: {  	[sflag:s30] =	ssyncadd.s32 $0xFFFFFF80  }
0x80: {  	[tilespmem:s1], [sflag:$0x1] =	stream.indirect.gather [spmem:s2], $0x80, s6, s31, $0xb8;
	[tilespmem:$0x1E980] =	vst v63  }
0x81: {  	_ =	swait.ge [sflag:s29], $0x4000  }
0x82: {  	[sflag:s29] =	ssyncset.done $0x0  }
0x83: {  	s16 =	rddreg [dreg:$0x3];
	[sflag:s29] =	ssyncadd.s32 $0xFFFFC000  }
0x84: {  	[hbm4b:s16+s3] =	stream.linear.scatter [tilespmem:s1], [sflag:$0x3], $0x4000, $0x38;
	[tilespmem:$0x1E980] =	vst v63  }
0x85: {  	_ =	swait.ge [sflag:s30], $0x4000  }
0x86: {  	[sflag:s30] =	ssyncset.done $0x0  }
0x87: {  	[sflag:s30] =	ssyncadd.s32 $0xFFFFC000  }
0x88: {  	[tilespmem:s6], [sflag:$0x3] =	stream.linear.gather [hbm4b:s21+s3], $0x80, $0x38;
	[tilespmem:$0x1E980] =	vst v63  }
0x89: {  	_ =	swait.ge [sflag:s30], $0x80  }
0x8a: {  	[sflag:s30] =	ssyncset.done $0x0  }
0x8b: {  	[sflag:s30] =	ssyncadd.s32 $0xFFFFFF80  }
0x8c: {  	[tilespmem:s1], [sflag:$0x1] =	stream.indirect.gather [spmem:s2], $0x80, s6, s31, $0xb8;
	[tilespmem:$0x1E980] =	vst v63  }
0x8d: {  	_ =	swait.ge [sflag:s29], $0x4000  }
0x8e: {  	[sflag:s29] =	ssyncset.done $0x0  }
0x8f: {  	s9 =	rddreg [dreg:$0x4];
	[sflag:s29] =	ssyncadd.s32 $0xFFFFC000  }
0x90: {  	[hbm4b:s9+s3] =	stream.linear.scatter [tilespmem:s1], [sflag:$0x3], $0x4000, $0x38;
	[tilespmem:$0x1E980] =	vst v63  }
0x91: {  	_ =	swait.ge [sflag:s30], $0x4000  }
0x92: {  	[sflag:s30] =	ssyncset.done $0x0  }
0x93: {  	[sflag:s30] =	ssyncadd.s32 $0xFFFFC000  }
0x94: {  	[tilespmem:s6], [sflag:$0x3] =	stream.linear.gather [hbm4b:s22+s3], $0x80, $0x38;
	[tilespmem:$0x1E980] =	vst v63  }
0x95: {  	_ =	swait.ge [sflag:s30], $0x80  }
0x96: {  	[sflag:s30] =	ssyncset.done $0x0  }
0x97: {  	[sflag:s30] =	ssyncadd.s32 $0xFFFFFF80  }
0x98: {  	[tilespmem:s1], [sflag:$0x1] =	stream.indirect.gather [spmem:s2], $0x80, s6, s31, $0xb8;
	[tilespmem:$0x1E980] =	vst v63  }
0x99: {  	_ =	swait.ge [sflag:s29], $0x4000  }
0x9a: {  	[sflag:s29] =	ssyncset.done $0x0  }
0x9b: {  	s10 =	rddreg [dreg:$0x5];
	[sflag:s29] =	ssyncadd.s32 $0xFFFFC000  }
0x9c: {  	[hbm4b:s10+s3] =	stream.linear.scatter [tilespmem:s1], [sflag:$0x3], $0x4000, $0x38;
	[tilespmem:$0x1E980] =	vst v63  }
0x9d: {  	_ =	swait.ge [sflag:s30], $0x4000  }
0x9e: {  	[sflag:s30] =	ssyncset.done $0x0  }
0x9f: {  	[sflag:s30] =	ssyncadd.s32 $0xFFFFC000  }
0xa0: {  	[tilespmem:s6], [sflag:$0x3] =	stream.linear.gather [hbm4b:s24+s3], $0x80, $0x38;
	[tilespmem:$0x1E980] =	vst v63  }
0xa1: {  	_ =	swait.ge [sflag:s30], $0x80  }
0xa2: {  	[sflag:s30] =	ssyncset.done $0x0  }
0xa3: {  	[sflag:s30] =	ssyncadd.s32 $0xFFFFFF80  }
0xa4: {  	[tilespmem:s1], [sflag:$0x1] =	stream.indirect.gather [spmem:s2], $0x80, s6, s31, $0xb8;
	[tilespmem:$0x1E980] =	vst v63  }
0xa5: {  	_ =	swait.ge [sflag:s29], $0x4000  }
0xa6: {  	[sflag:s29] =	ssyncset.done $0x0  }
0xa7: {  	s11 =	rddreg [dreg:$0x6];
	[sflag:s29] =	ssyncadd.s32 $0xFFFFC000  }
0xa8: {  	[hbm4b:s11+s3] =	stream.linear.scatter [tilespmem:s1], [sflag:$0x3], $0x4000, $0x38;
	[tilespmem:$0x1E980] =	vst v63  }
0xa9: {  	_ =	swait.ge [sflag:s30], $0x4000  }
0xaa: {  	[sflag:s30] =	ssyncset.done $0x0  }
0xab: {  	[sflag:s30] =	ssyncadd.s32 $0xFFFFC000  }
0xac: {  	[tilespmem:s6], [sflag:$0x3] =	stream.linear.gather [hbm4b:s19+s3], $0x80, $0x38;
	[tilespmem:$0x1E980] =	vst v63  }
0xad: {  	_ =	swait.ge [sflag:s30], $0x80  }
0xae: {  	[sflag:s30] =	ssyncset.done $0x0  }
0xaf: {  	[sflag:s30] =	ssyncadd.s32 $0xFFFFFF80  }
0xb0: {  	[tilespmem:s1], [sflag:$0x1] =	stream.indirect.gather [hbm4b:s14+s31], $0x80, s6, s31, $0xb8;
	[tilespmem:$0x1E980] =	vst v63  }
0xb1: {  	_ =	swait.ge [sflag:s29], $0x4000  }
0xb2: {  	[sflag:s29] =	ssyncset.done $0x0  }
0xb3: {  	s15 =	rddreg [dreg:$0x7];
	[sflag:s29] =	ssyncadd.s32 $0xFFFFC000  }
0xb4: {  	[hbm4b:s15+s3] =	stream.linear.scatter [tilespmem:s1], [sflag:$0x3], $0x4000, $0x38;
	[tilespmem:$0x1E980] =	vst v63  }
0xb5: {  	_ =	swait.ge [sflag:s30], $0x4000  }
0xb6: {  	[sflag:s30] =	ssyncset.done $0x0  }
0xb7: {  	[sflag:s30] =	ssyncadd.s32 $0xFFFFC000  }
0xb8: {  	[tilespmem:s6], [sflag:$0x3] =	stream.linear.gather [hbm4b:s25+s3], $0x80, $0x38;
	[tilespmem:$0x1E980] =	vst v63  }
0xb9: {  	_ =	swait.ge [sflag:s30], $0x80  }
0xba: {  	[sflag:s30] =	ssyncset.done $0x0  }
0xbb: {  	[sflag:s30] =	ssyncadd.s32 $0xFFFFFF80  }
0xbc: {  	[tilespmem:s1], [sflag:$0x1] =	stream.indirect.gather [hbm4b:s14+s31], $0x80, s6, s31, $0xb8;
	[tilespmem:$0x1E980] =	vst v63  }
0xbd: {  	s7 =	sadd.s32 $0x1, s7;
	_ =	swait.ge [sflag:s29], $0x4000  }
0xbe: {  	p0 =	sne.s32 s7, s20;
	[sflag:s29] =	ssyncset.done $0x0  }
.Ltmp1:
0xbf: {  	s16 =	rddreg [dreg:$0x8];
	[sflag:s29] =	ssyncadd.s32 $0xFFFFC000;
	(pc) =	sbr.rel @p0 .LBB2_1-.Ltmp1, $4  }
0xc0: {  	[hbm4b:s16+s3] =	stream.linear.scatter [tilespmem:s1], [sflag:$0x3], $0x4000, $0x38;
	[tilespmem:$0x1E980] =	vst v63  }
0xc1: {  	_ =	swait.ge [sflag:s30], $0x4000  }
0xc2: {  	[sflag:s30] =	ssyncset.done $0x0  }
0xc3: {  	[sflag:s30] =	ssyncadd.s32 $0xFFFFC000  }
0xc4: {  	_ =	sfence.sel $0x180000  }
0xc5: {  	[bflag:$0x0] =	sbarrier.arrive $0xFFFF  }
0xc6: {  	_ =	strace $0x9000004D  }
0xc7: {  	s0 =	stileid.u32;
	[bflag:$0x2] =	sbarrier.arrive $0xFFFF  }
0xc8: {  	p0 =	sne.s32 s0, $0x0;
	s0 =	rddreg [dreg:$0x2]  }
0xc9: {  	s0 =	sadd.s32 @!p0 $0x100000, s0  }
0xca: {  	[sflag:s0] =	ssyncadd.tile.s32 @!p0 $0x1;
	_ =	shalt  }
.Lfunc_end2:
_tile_overlayer_lowered:
.L_overlay_start_2:
0xcb: {  	(tag) =	ssettag $0x2  }
0xcc: {  	s0 =	rddreg [dreg:$0x0];
	s2 =	stileid.u32  }
0xcd: {  	s1 =	rddreg [dreg:$0x1];
	p0 =	sne.s32 s2, $0x0  }
0xce: {  	s3 =	rddreg [dreg:$0x2];
	[bflag:$0x3] =	sbarrier.arrive $0xFFFF;
	s2 =	simm.s32 @!p0 $0x1C03  }
0xcf: {  	[timem:s3], [sflag:s2] =	dma.local @!p0 [hbm:s0], s1  }
0xd0: {  	s0 =	simm.s32 @!p0 $0x3  }
0xd1: {  	_ =	swait.ge @!p0 [sflag:s0], s1  }
0xd2: {  	s1 =	ssub.s32 @!p0 $0x0, s1;
	[sflag:s0] =	ssyncset.done @!p0 $0x0  }
0xd3: {  	[sflag:s0] =	ssyncadd.s32 @!p0 s1  }
0xd4: {  	[bflag:$0x3] =	sbarrier.arrive $0xFFFF  }
0xd5: {  	_ =	shalt  }

// kernel: kernel.9.cloned.1.call-start
scs
__scs_entry_jumppad:
0x0: {  	(pc) =	sbr.rel $0x88, $3  }
0x1: {  	(tag) =	ssettag $0x0;
	lr =	simm.s32 $0x1  }
0x2: {  	[smem:$0x3F95] =	sst lr;
	_ =	strace $0xD0000000  }
0x3: {  	_ = 	snop  }
0x4: {  	_ = 	snop  }
0x5: {  	_ = 	snop  }
0x6: {  	_ = 	snop  }
0x7: {  	_ = 	snop  }
__scs_overlays_trampoline_lowered:
0x8: {  	[smem:$0x3FA4] =	sst s0  }
0x9: {  	[smem:$0x3FA5] =	sst s1  }
0xa: {  	[smem:$0x3FA6] =	sst s2  }
0xb: {  	[smem:$0x3FA7] =	sst s3  }
0xc: {  	[smem:$0x3FA8] =	sst s4  }
0xd: {  	[smem:$0x3FA9] =	sst s5  }
0xe: {  	[smem:$0x3FAA] =	sst s6  }
0xf: {  	[smem:$0x3FAB] =	sst s7  }
0x10: {  	[smem:$0x3FAC] =	sst s8  }
0x11: {  	[smem:$0x3FAD] =	sst s9;
	s0 =	simm.s32 @!p0 $0x0  }
0x12: {  	s1 =	sld [smem:$0x3F93];
	s0 =	simm.s32 @p0 $0x1  }
0x13: {  	[smem:$0x3FAE] =	sst s0;
	s0 =	simm.s32 @!p1 $0x0  }
0x14: {  	s2 =	sld [smem:$0x3F92];
	s0 =	simm.s32 @p1 $0x1  }
0x15: {  	[smem:$0x3FAF] =	sst s0;
	s0 =	simm.s32 @!p2 $0x0  }
0x16: {  	s3 =	sld [smem:$0x3FDB];
	s0 =	simm.s32 @p2 $0x1  }
0x17: {  	s4 =	simm.s32 $0x1BF5;
	[smem:$0x3FB1] =	sst s0  }
0x18: {  	s0 =	sld [smem:$0x3F94];
	_ =	swait.ge [sflag:s4], $0x0  }
0x19: {  	s7 =	sld [smem:$0x3F95]  }
0x1a: {  	s8 =	sadd.s32 $0xFFFFE003, lr  }
0x1b: {  	s9 =	sadd.s32 $0xFFFFFEF7, lr;
	s5 =	simm.s32 $0xFFFFFFFF;
	p2 =	slt.u32 s8, $0xFFFFF086  }
0x1c: {  	p1 =	slt.u32 s9, $0xF7A;
	s5 =	simm.s32 @!p2 $0x0  }
0x1d: {  	s5 =	simm.s32 @p1 $0x1;
	p0 =	seq.s32 s7, s2  }
0x1e: {  	s7 =	smul.u32 @!p0 $0xF7A, s2;
	p2 =	seq.s32 @!p0 s5, $0x0  }
0x1f: {  	s9 =	smul.u32 $0xF7A, s1;
	s8 =	simm.s32 @!p0 $0x1BF5;
	p2 =	por !p2, p0  }
0x20: {  	[sflag:s8] =	ssyncset.s32 @!p0 $0xFFFFF086;
	s6 =	sadd.s32 @!p0 s3, s7;
	s7 =	simm.s32 @!p0 $0x108  }
0x21: {  	s3 =	sadd.s32 s3, s9;
	s6 =	sadd.s32 @!p0 $0x88, s6;
	s7 =	simm.s32 @p2 $0x1082  }
0x22: {  	[simem:s7], [sflag:s8] =	dma.local @!p0 [hbm:s6], $0xF7A  }
0x23: {  	s9 =	sor.u32 $0xD0000000, s2;
	s6 =	simm.s32 $0x108;
	_ =	swait.ge @!p0 [sflag:s8], $0x0  }
0x24: {  	s3 =	sadd.s32 $0x88, s3;
	s6 =	simm.s32 @!p1 $0x1082;
	[sflag:s4] =	ssyncset.s32 $0xFFFFF086  }
0x25: {  	[simem:s6], [sflag:s4] =	dma.local [hbm:s3], $0xF7A  }
0x26: {  	[smem:$0x3F95] =	sst s1;
	(tag) =	ssettag s2;
	_ =	strace s9  }
0x27: {  	s1 =	sld [smem:$0x3FA5]  }
0x28: {  	s2 =	sld [smem:$0x3FA6]  }
0x29: {  	s4 =	sld [smem:$0x3FA8]  }
0x2a: {  	p0 =	seq.s32 s5, $0x0;
	s5 =	sld [smem:$0x3FA9]  }
0x2b: {  	s6 =	sld [smem:$0x3FAA]  }
0x2c: {  	s7 =	sld [smem:$0x3FAB]  }
0x2d: {  	s3 =	simm.s32 $0x108;
	s8 =	sld [smem:$0x3FAC]  }
0x2e: {  	s3 =	simm.s32 @!p0 $0x1082;
	s9 =	sld [smem:$0x3FAD]  }
0x2f: {  	lr =	sadd.s32 s0, s3;
	s0 =	sld [smem:$0x3FA4]  }
0x30: {  	s3 =	sld [smem:$0x3FA7]  }
0x31: {  	[smem:$0x3FB0] =	sst s10  }
0x32: {  	s10 =	sld [smem:$0x3FAE];
	_ =	sdelay $0x3  }
0x33: {  	p0 =	seq.s32 s10, $0x1;
	s10 =	sld [smem:$0x3FB0];
	_ =	sdelay $0x3  }
0x34: {  	[smem:$0x3FB0] =	sst s10  }
0x35: {  	s10 =	sld [smem:$0x3FAF];
	_ =	sdelay $0x3  }
0x36: {  	p1 =	seq.s32 s10, $0x1;
	s10 =	sld [smem:$0x3FB0];
	_ =	sdelay $0x3  }
0x37: {  	[smem:$0x3FB0] =	sst s10  }
0x38: {  	s10 =	sld [smem:$0x3FB1]  }
0x39: {  	_ = 	snop;
	(pc) =	sbr.ind lr, $3  }
0x3a: {  	_ = 	snop  }
0x3b: {  	_ = 	snop  }
0x3c: {  	p2 =	seq.s32 s10, $0x1;
	s10 =	sld [smem:$0x3FB0]  }
0x3d: {  	_ =	shalt  }
0x3e: {  	_ =	shalt  }
0x3f: {  	_ =	shalt  }
0x40: {  	_ =	shalt  }
0x41: {  	_ =	shalt  }
0x42: {  	_ =	shalt  }
0x43: {  	_ =	shalt  }
0x44: {  	_ =	shalt  }
0x45: {  	_ =	shalt  }
0x46: {  	_ =	shalt  }
0x47: {  	_ =	shalt  }
0x48: {  	_ =	shalt  }
0x49: {  	_ =	shalt  }
0x4a: {  	_ =	shalt  }
0x4b: {  	_ =	shalt  }
0x4c: {  	_ =	shalt  }
0x4d: {  	_ =	shalt  }
0x4e: {  	_ =	shalt  }
0x4f: {  	_ =	shalt  }
0x50: {  	_ =	shalt  }
0x51: {  	_ =	shalt  }
0x52: {  	_ =	shalt  }
0x53: {  	_ =	shalt  }
0x54: {  	_ =	shalt  }
0x55: {  	_ =	shalt  }
0x56: {  	_ =	shalt  }
0x57: {  	_ =	shalt  }
0x58: {  	_ =	shalt  }
0x59: {  	_ =	shalt  }
0x5a: {  	_ =	shalt  }
0x5b: {  	_ =	shalt  }
0x5c: {  	_ =	shalt  }
0x5d: {  	_ =	shalt  }
0x5e: {  	_ =	shalt  }
0x5f: {  	_ =	shalt  }
0x60: {  	_ =	shalt  }
0x61: {  	_ =	shalt  }
0x62: {  	_ =	shalt  }
0x63: {  	_ =	shalt  }
0x64: {  	_ =	shalt  }
0x65: {  	_ =	shalt  }
0x66: {  	_ =	shalt  }
0x67: {  	_ =	shalt  }
0x68: {  	_ =	shalt  }
0x69: {  	_ =	shalt  }
0x6a: {  	_ =	shalt  }
0x6b: {  	_ =	shalt  }
0x6c: {  	_ =	shalt  }
0x6d: {  	_ =	shalt  }
0x6e: {  	_ =	shalt  }
0x6f: {  	_ =	shalt  }
0x70: {  	_ =	shalt  }
0x71: {  	_ =	shalt  }
0x72: {  	_ =	shalt  }
0x73: {  	_ =	shalt  }
0x74: {  	_ =	shalt  }
0x75: {  	_ =	shalt  }
0x76: {  	_ =	shalt  }
0x77: {  	_ =	shalt  }
0x78: {  	_ =	shalt  }
0x79: {  	_ =	shalt  }
0x7a: {  	_ =	shalt  }
0x7b: {  	_ =	shalt  }
0x7c: {  	_ =	shalt  }
0x7d: {  	_ =	shalt  }
0x7e: {  	_ =	shalt  }
0x7f: {  	_ =	shalt  }
0x80: {  	_ =	shalt  }
0x81: {  	_ =	shalt  }
0x82: {  	_ =	shalt  }
0x83: {  	_ =	shalt  }
0x84: {  	_ =	shalt  }
0x85: {  	_ =	shalt  }
0x86: {  	_ =	shalt  }
0x87: {  	_ =	shalt  }
.Lfunc_end0:
.L_simem_size_0:
called_computation_lowered:
.L_overlay_start_0:
0x88: {  	s2 =	sld [smem:$0x3FD9]  }
0x89: {  	s3 =	sld [smem:$0x3FFE];
	_ =	sdelay $0x1  }
0x8a: {  	s1 =	srdreg.scid  }
0x8b: {  	s0 =	sand.u32 $0x1, s1  }
0x8c: {  	s16 =	sshll.u32 s0, $0xA;
	s2 =	sadd.s32 s3, s2  }
0x8d: {  	s2 =	sadd.s32 s2, s16  }
0x8e: {  	[smem:$0x3FBC] =	sst s2  }
0x8f: {  	_ = 	snop  }
0x90: {  	(tm) =	ssettm $0x1  }
0x91: {  	s17 =	sld [smem:$0x3FFB];
	_ =	sdelay $0x3  }
0x92: {  	_ =	strace s17  }
0x93: {  	s2 =	sld [smem:$0x3FFC];
	_ =	sdelay $0x3  }
0x94: {  	_ =	strace s2  }
0x95: {  	s2 =	sld [smem:$0x3FFD];
	_ =	sdelay $0x3  }
0x96: {  	_ =	strace s2  }
0x97: {  	_ =	strace $0x8FFFFFFF  }
0x98: {  	s18 =	sld [smem:$0x3FDB];
	_ =	sdelay $0x1  }
0x99: {  	s19 =	simm.s32 $_scs_section_size  }
0x9a: {  	s4 =	simm.s32 $_size__tile_overlayer_lowered;
	s5 =	simm.s32 $_tile_overlayer_lowered  }
0x9b: {  	s22 =	simm.s32 $0x1BFF;
	s21 =	sshll.u32 s5, $0x1;
	s2 =	sadd.s32 s19, s18  }
0x9c: {  	s6 =	simm.s32 $0x0;
	s20 =	sshll.u32 s4, $0x1;
	s4 =	sadd.s32 s21, s2  }
0x9d: {  	[timem:s6], [sflag:s22] =	dma.local [hbm:s4], s20  }
0x9e: {  	_ =	swait.ge [sflag:s22], s20  }
0x9f: {  	s3 =	ssub.s32 $0x0, s20;
	[sflag:s22] =	ssyncset.done $0x0  }
0xa0: {  	[sflag:s22] =	ssyncadd.s32 s3;
	_ =	sdelay $0x1  }
0xa1: {  	s23 =	simm.s32 $0x1B8B  }
0xa2: {  	_ =	swait.ge [sflag:s23], $0x1  }
0xa3: {  	[sflag:s23] =	ssyncset.done $0x0  }
0xa4: {  	s25 =	simm.s32 $0x1B8E;
	s24 =	sld [smem:$0x3FFE];
	[sflag:s23] =	ssyncadd.s32 $0xFFFFFFFF  }
0xa5: {  	s26 =	simm.s32 $execute0_lowered;
	[smem:$0x3FD2] =	sst s25  }
0xa6: {  	s4 =	sshll.u32 s26, $0x1;
	_ =	strace $0x80000046;
	[dreg:$0x1] =	wrdreg $0xFFFFFFFF  }
0xa7: {  	s28 =	simm.s32 $_size_execute0_lowered;
	s2 =	sadd.s32 s2, s4;
	[dreg:$0x0] =	wrdreg $0x0  }
0xa8: {  	s4 =	sshll.u32 s28, $0x1;
	[dreg:$0x2] =	wrdreg s2  }
0xa9: {  	[dreg:$0x3] =	wrdreg s4  }
0xaa: {  	[dreg:$0x4] =	wrdreg $0xC0  }
0xab: {  	_ =	task [dreg:s6], $0x5FFFF  }
0xac: {  	[dreg:$0x1] =	wrdreg $0xFFFFFFFF  }
0xad: {  	[dreg:$0x0] =	wrdreg $0x60  }
0xae: {  	[dreg:$0x2] =	wrdreg s24  }
0xaf: {  	[dreg:$0x3] =	wrdreg $0x68000  }
0xb0: {  	[dreg:$0x4] =	wrdreg $0x9  }
0xb1: {  	_ =	task.clear_ibuf [dreg:s6], $0x5FFFF;
	_ =	strace $0x90000046  }
0xb2: {  	s29 =	simm.s32 $0x9;
	_ =	strace $0x80000048  }
0xb3: {  	_ =	swait.ge [sflag:s29], $0x1  }
0xb4: {  	[sflag:s29] =	ssyncadd.s32 $0xFFFFFFFF  }
0xb5: {  	_ =	strace $0x90000048  }
0xb6: {  	_ =	sfence  }
0xb7: {  	s30 =	sld [smem:$0x0];
	_ =	sdelay $0x2  }
0xb8: {  	s31 =	sshll.u32 s1, $0xD;
	s1 =	sshrl.u32 s1, $0x2  }
0xb9: {  	s3 =	sand.u32 $0x4000, s31;
	s1 =	sadd.s32 s1, s30  }
0xba: {  	s0 =	sor.u32 s3, s0;
	s1 =	sshll.u32 s1, $0x11  }
0xbb: {  	s0 =	sor.u32 s1, s0  }
0xbc: {  	s0 =	sadd.s32 $0x8F2B, s0  }
0xbd: {  	[sflag:s0] =	ssyncadd.remote.s32 $0x1  }
0xbe: {  	_ =	sfence.sel $0xFFFF  }
0xbf: {  	[dreg:$0x0] =	wrdreg $0xFFFFFFFF;
	(pc) =	sbr.abs _section_cstart, $3  }
0xc0: {  	[dreg:$0x1] =	wrdreg $0xFFFFFFFF  }
0xc1: {  	_ =	task.clear_ibuf [dreg:s6], $0x2FFFF;
	_ =	strace $0x9FFFFFFF  }
0xc2: {  	(tm) =	ssettm $0x7FFFFFFF  }
0xc3: {  	_ =	shalt  }
tec
execute0_lowered:
.L_overlay_start_1:
0x0: {  	(tag) =	ssettag $0x1  }
0x1: {  	s1 =	srdreg.scid  }
0x2: {  	s0 =	stileid.u32;
	s5 =	rddreg [dreg:$0x0]  }
0x3: {  	s2 =	rddreg [dreg:$0x1];
	s3 =	simm.s32 $0x0;
	s13 =	simm.s32 $0x80  }
0x4: {  	s14 =	simm.s32 $0x0;
	s4 =	sand.u32 $0x1, s1;
	s1 =	rddreg [dreg:$0x2]  }
0x5: {  	s26 =	sshll.u32 s0, $0x1;
	[smem:$0x7FF] =	sst s3;
	s7 =	smul.u32 $0x2800, s0  }
0x6: {  	s11 =	smul.u32 $0x50000, s0;
	s31 =	sshll.u32 s0, $0x6;
	s6 =	sor.u32 s4, s26  }
0x7: {  	_ =	strace $0x80000047;
	s28 =	smul.u32 $0x28000, s4;
	s10 =	ssub.s32 $0x2, s4  }
0x8: {  	s4 =	sadd.s32 $0x35800, s5;
	s6 =	smul.u32 $0x500, s6;
	s29 =	sshrl.u32 s10, $0x1  }
0x9: {  	s9 =	sadd.s32 s7, s5;
	s30 =	sshrl.u32 s11, $0x2;
	s10 =	ssub.s32 s10, s29  }
0xa: {  	s11 =	sadd.s32 s30, s2;
	s8 =	sadd.s32 s6, s5;
	s6 =	sadd.s32 s7, s28  }
0xb: {  	s12 =	sadd.s32 s6, s5;
	s5 =	sadd.s32 $0xD800, s9;
	s6 =	sor.u32 $0x1C01, s31  }
0xc: {  	s7 =	sadd.s32 $0x3800, s8;
	s9 =	smax.u32 s10, $0x1;
	s10 =	sshrl.u32 s11, $0x3  }
0xd: {  	s11 =	simm.s32 $0x1;
	s8 =	sadd.s32 $0x36000, s12;
	s12 =	simm.s32 $0x4000  }
.LBB2_1:
0xe: {  	[spmem:s10], [sflag:s6] =	dma.local [hbm:s5], $0x2800  }
0xf: {  	_ =	swait.ge [sflag:s11], $0x2800  }
0x10: {  	[sflag:s11] =	ssyncset.done $0x0  }
0x11: {  	[sflag:s11] =	ssyncadd.s32 $0xFFFFD800  }
0x12: {  	[tilespmem:s3], [sflag:$0x1] =	stream.linear.gather [hbm4b:s4+s3], $0x4000, $0x38;
	[tilespmem:$0x1A800] =	vst v63  }
0x13: {  	_ =	swait.ge [sflag:s11], $0x4000  }
0x14: {  	[sflag:s11] =	ssyncset.done $0x0  }
0x15: {  	[sflag:s11] =	ssyncadd.s32 $0xFFFFC000  }
0x16: {  	[tilespmem:s12], [sflag:$0x1] =	stream.linear.gather [hbm4b:s7+s3], $0x2800, $0x38;
	[tilespmem:$0x1A800] =	vst v63  }
0x17: {  	_ =	swait.ge [sflag:s11], $0x2800  }
0x18: {  	[sflag:s11] =	ssyncset.done $0x0  }
0x19: {  	[sflag:s11] =	ssyncadd.s32 $0xFFFFD800  }
0x1a: {  	s15 =	simm.s32 $0x4000;
	[bflag:$0x0] =	sbarrier.arrive $0xFFFF  }
0x1b: {  	[spmem:s2] =	stream.indirect.scatter.add.f32 [tilespmem:s3], [sflag:$0x1], $0x80, s15, s13, $0xb8;
	[tilespmem:$0x1A800] =	vst v63  }
0x1c: {  	s15 =	simm.s32 $0x200;
	_ =	swait.ge [sflag:s11], $0x4000  }
.LBB2_2:
0x1d: {  	s16 =	sshra.s32 s15, $0x2;
	[sflag:s11] =	ssyncset.done $0x0;
	p0 =	sne.s32 s15, $0x9E00  }
.Ltmp0:
0x1e: {  	s16 =	sadd.s32 $0x4000, s16;
	[sflag:s11] =	ssyncadd.s32 $0xFFFFC000;
	(pc) =	sbr.rel @p0 .LBB2_2-.Ltmp0, $3  }
0x1f: {  	[spmem:s2] =	stream.indirect.scatter.add.f32 [tilespmem:s3], [sflag:$0x1], $0x80, s16, s13, $0xb8;
	[tilespmem:$0x1A800] =	vst v63  }
0x20: {  	s15 =	sadd.s32 $0x200, s15;
	_ =	sdelay $0x1  }
0x21: {  	_ =	swait.ge [sflag:s11], $0x4000  }
0x22: {  	[sflag:s11] =	ssyncset.done $0x0;
	s14 =	sadd.s32 $0x1, s14  }
0x23: {  	[sflag:s11] =	ssyncadd.s32 $0xFFFFC000;
	p0 =	sne.s32 s14, s9  }
.Ltmp1:
0x24: {  	[bflag:$0x0] =	sbarrier.arrive $0xFFFF;
	(pc) =	sbr.rel @p0 .LBB2_1-.Ltmp1, $4  }
0x25: {  	[hbm:s8], [sflag:s6] =	dma.local [spmem:s10], $0x2800  }
0x26: {  	_ =	swait.ge [sflag:s11], $0x2800  }
0x27: {  	[sflag:s11] =	ssyncset.done $0x0  }
0x28: {  	[sflag:s11] =	ssyncadd.s32 $0xFFFFD800  }
0x29: {  	_ =	sfence.sel $0x180000  }
0x2a: {  	[bflag:$0x0] =	sbarrier.arrive $0xFFFF  }
0x2b: {  	p0 =	sne.s32 s0, $0x0;
	_ =	strace $0x90000047  }
0x2c: {  	s0 =	sadd.s32 @!p0 $0x100000, s1;
	[bflag:$0x2] =	sbarrier.arrive $0xFFFF  }
0x2d: {  	[sflag:s0] =	ssyncadd.tile.s32 @!p0 $0x1;
	_ =	shalt  }
.Lfunc_end2:
_tile_overlayer_lowered:
.L_overlay_start_2:
0x2e: {  	(tag) =	ssettag $0x2  }
0x2f: {  	s0 =	rddreg [dreg:$0x0];
	s2 =	stileid.u32  }
0x30: {  	s1 =	rddreg [dreg:$0x1];
	p0 =	sne.s32 s2, $0x0  }
0x31: {  	s3 =	rddreg [dreg:$0x2];
	[bflag:$0x3] =	sbarrier.arrive $0xFFFF;
	s2 =	simm.s32 @!p0 $0x1C01  }
0x32: {  	[timem:s3], [sflag:s2] =	dma.local @!p0 [hbm:s0], s1  }
0x33: {  	s0 =	simm.s32 @!p0 $0x1  }
0x34: {  	_ =	swait.ge @!p0 [sflag:s0], s1  }
0x35: {  	s1 =	ssub.s32 @!p0 $0x0, s1;
	[sflag:s0] =	ssyncset.done @!p0 $0x0  }
0x36: {  	[sflag:s0] =	ssyncadd.s32 @!p0 s1  }
0x37: {  	[bflag:$0x3] =	sbarrier.arrive $0xFFFF  }
0x38: {  	_ =	shalt  }

</sc_bundles>
